<compile_context>
chip_gen: v7x
topology: tpu7x:2x2x1
jax: 0.10.2.dev20260603
libtpu: 0.0.44.dev20260713+nightly
codegen_flags: <defaults>
</compile_context>

<pallas_src>
import functools

import jax
import jax.numpy as jnp
from jax import lax
from jax.experimental import pallas as pl
from jax.experimental.pallas import tpu as pltpu
from jax.experimental.pallas import tpu_sc as plsc

f32 = jnp.float32
i32 = jnp.int32

NC = 2
NS = 16
L = 16

CHUNK = 125
BN = 1000
ZROWS = 40

MM_PREC = jax.lax.Precision.DEFAULT


def _mesh():
    return plsc.VectorSubcoreMesh(core_axis_name="c", subcore_axis_name="s")


def _tc_transform(h, W_rel):
    N, D = h.shape
    R = W_rel.shape[0]
    H = D // 2
    NBN = N // BN

    def body(h_ref, w_ref, out_ref):
        out_ref[...] = jnp.dot(h_ref[...], w_ref[0],
                               preferred_element_type=f32,
                               precision=MM_PREC)

    return pl.pallas_call(
        body,
        grid=(NBN, R),
        in_specs=[
            pl.BlockSpec((BN, D), lambda n, r: (n, 0)),
            pl.BlockSpec((1, D, D), lambda n, r: (r, 0, 0)),
        ],
        out_specs=pl.BlockSpec((BN, D), lambda n, r: (r * NBN + n, 0)),
        out_shape=jax.ShapeDtypeStruct((R * N, D), f32),
    )(h, W_rel)


def _sc_msg(tv, gl2, gr2, dst2, N, H):
    NCHUNKS = dst2.shape[0]
    TPR = NCHUNKS // NS
    NIO = 10
    NPT = N // NIO
    TPRH = TPR // 2

    @functools.partial(
        pl.kernel,
        out_type=jax.ShapeDtypeStruct((NC, N, H), f32),
        mesh=_mesh(),
        scratch_types=[
            pltpu.VMEM((TPRH, CHUNK), i32),
            pltpu.VMEM((TPRH, CHUNK), i32),
            pltpu.VMEM((CHUNK, H), f32),
            pltpu.SemaphoreType.DMA,
            pltpu.SemaphoreType.DMA,
            pltpu.VMEM_SHARED((N, H), f32),
        ],
    )
    def msg_kernel(t_hbm, gl_hbm, gr_hbm, dst_hbm, acc_hbm,
                   gbuf, dbuf, rows, gsem, ssem, shared):
        c = lax.axis_index("c")
        s = lax.axis_index("s")

        def zfill(k, _):
            rows[k // (H // L), pl.ds((k % (H // L)) * L, L)] = \
                jnp.zeros((L,), f32)
            return 0

        lax.fori_loop(0, CHUNK * (H // L), zfill, 0)

        @pl.when(s < NIO)
        def _():
            def zcopy(k, _):
                pltpu.sync_copy(rows.at[pl.ds(0, ZROWS)],
                                shared.at[pl.ds(s * NPT + k * ZROWS, ZROWS)])
                return 0

            lax.fori_loop(0, NPT // ZROWS, zcopy, 0)

        plsc.subcore_barrier()

        def run(g_ref):
            def body(i, _):
                pltpu.async_copy(t_hbm.at[gbuf.at[i]], rows, gsem).wait()
                pltpu.async_copy(rows, shared.at[dbuf.at[i]], ssem,
                                 add=True).wait()
                return 0

            for p in range(TPR // TPRH):
                pltpu.sync_copy(
                    g_ref.at[pl.ds(s * TPR + p * TPRH, TPRH)], gbuf)
                pltpu.sync_copy(
                    dst_hbm.at[pl.ds(s * TPR + p * TPRH, TPRH)], dbuf)
                lax.fori_loop(0, TPRH, body, 0)

        @pl.when(c == 0)
        def _():
            run(gl_hbm)

        @pl.when(c == 1)
        def _():
            run(gr_hbm)

        plsc.subcore_barrier()

        @pl.when(s < NIO)
        def _():
            pltpu.sync_copy(shared.at[pl.ds(s * NPT, NPT)],
                            acc_hbm.at[c, pl.ds(s * NPT, NPT)])

    return msg_kernel(tv, gl2, gr2, dst2)


def _tc_deg(d_a, d_b, NA, NB):
    E = d_a.shape[0]
    BE = 1000
    NG = E // BE

    def body(da_ref, db_ref, out_ref, acc):
        g = pl.program_id(0)

        @pl.when(g == 0)
        def _():
            acc[...] = jnp.zeros((NA, NB), f32)

        ia = lax.broadcasted_iota(i32, (BE, NA), 1)
        ib = lax.broadcasted_iota(i32, (BE, NB), 1)
        oa = (da_ref[...] == ia).astype(jnp.bfloat16)
        ob = (db_ref[...] == ib).astype(jnp.bfloat16)
        acc[...] += lax.dot_general(oa, ob, (((0,), (0,)), ((), ())),
                                    preferred_element_type=f32)

        @pl.when(g == NG - 1)
        def _():
            out_ref[...] = acc[...]

    return pl.pallas_call(
        body,
        grid=(NG,),
        in_specs=[
            pl.BlockSpec((BE, 1), lambda g: (g, 0)),
            pl.BlockSpec((BE, 1), lambda g: (g, 0)),
        ],
        out_specs=pl.BlockSpec((NA, NB), lambda g: (0, 0)),
        out_shape=jax.ShapeDtypeStruct((NA, NB), f32),
        scratch_shapes=[pltpu.VMEM((NA, NB), f32)],
    )(d_a, d_b)


def _tc_finish_transform(acc, deg3, h_in, W_self, b2d, W_rel_next, relu):
    N, D = h_in.shape
    R = W_rel_next.shape[0]
    H = D // 2
    NBN = N // BN

    def body(acc_ref, deg_ref, h_ref, ws_ref, b_ref, wr_ref,
             hout_ref, t_ref, hscr):
        r = pl.program_id(1)

        @pl.when(r == 0)
        def _():
            inv = 1.0 / jnp.clip(deg_ref[...], 1.0, None)
            msg = jnp.concatenate([acc_ref[0] * inv, acc_ref[1] * inv], axis=1)
            base = jnp.dot(h_ref[...], ws_ref[...],
                           preferred_element_type=f32,
                           precision=MM_PREC) + b_ref[...]
            hn = msg + base
            if relu:
                hn = jnp.maximum(hn, 0.0)
            hscr[...] = hn
            hout_ref[...] = hn

        t_ref[...] = jnp.dot(hscr[...], wr_ref[0],
                             preferred_element_type=f32,
                             precision=MM_PREC)

    return pl.pallas_call(
        body,
        grid=(NBN, R),
        in_specs=[
            pl.BlockSpec((NC, BN, H), lambda n, r: (0, n, 0)),
            pl.BlockSpec((BN, 1), lambda n, r: (n, 0)),
            pl.BlockSpec((BN, D), lambda n, r: (n, 0)),
            pl.BlockSpec((D, D), lambda n, r: (0, 0)),
            pl.BlockSpec((1, D), lambda n, r: (0, 0)),
            pl.BlockSpec((1, D, D), lambda n, r: (r, 0, 0)),
        ],
        out_specs=[
            pl.BlockSpec((BN, D), lambda n, r: (n, 0)),
            pl.BlockSpec((BN, D), lambda n, r: (r * NBN + n, 0)),
        ],
        out_shape=[
            jax.ShapeDtypeStruct((N, D), f32),
            jax.ShapeDtypeStruct((R * N, D), f32),
        ],
        scratch_shapes=[pltpu.VMEM((BN, D), f32)],
    )(acc, deg3, h_in, W_self, b2d, W_rel_next)


def _tc_finish(acc, deg3, h_in, W_self, b2d):
    N, D = h_in.shape
    H = D // 2
    NBN = N // BN

    def body(acc_ref, deg_ref, h_ref, ws_ref, b_ref, out_ref):
        inv = 1.0 / jnp.clip(deg_ref[...], 1.0, None)
        msg = jnp.concatenate([acc_ref[0] * inv, acc_ref[1] * inv], axis=1)
        base = jnp.dot(h_ref[...], ws_ref[...],
                       preferred_element_type=f32,
                       precision=MM_PREC) + b_ref[...]
        out_ref[...] = msg + base

    return pl.pallas_call(
        body,
        grid=(NBN,),
        in_specs=[
            pl.BlockSpec((NC, BN, H), lambda n: (0, n, 0)),
            pl.BlockSpec((BN, 1), lambda n: (n, 0)),
            pl.BlockSpec((BN, D), lambda n: (n, 0)),
            pl.BlockSpec((D, D), lambda n: (0, 0)),
            pl.BlockSpec((1, D), lambda n: (0, 0)),
        ],
        out_specs=pl.BlockSpec((BN, D), lambda n: (n, 0)),
        out_shape=jax.ShapeDtypeStruct((N, D), f32),
    )(acc, deg3, h_in, W_self, b2d)


def kernel(edges, entity_embed_init, W_rel1, W_self1, b1, W_rel2, W_self2, b2):
    h = entity_embed_init
    N, D = h.shape
    R = W_rel1.shape[0]
    H = D // 2
    b1_2 = b1.reshape(1, D)
    b2_2 = b2.reshape(1, D)

    for i in range(edges.shape[0]):
        src = edges[i, 0].astype(i32)
        rel = (edges[i, 1] % R).astype(i32)
        dst = edges[i, 2].astype(i32)

        gl2 = (2 * (rel * N + src)).reshape(-1, CHUNK)
        gr2 = gl2 + 1
        dst2 = dst.reshape(-1, CHUNK)
        NB = 128
        NA = (N + NB - 1) // NB
        d_a = (dst // NB).reshape(-1, 1)
        d_b = (dst % NB).reshape(-1, 1)

        deg2d = _tc_deg(d_a, d_b, NA, NB)
        deg3 = deg2d.reshape(-1)[:N].reshape(N, 1)
        t1 = _tc_transform(h, W_rel1).reshape(-1, H)
        acc1 = _sc_msg(t1, gl2, gr2, dst2, N, H)
        h1, t2 = _tc_finish_transform(acc1, deg3, h, W_self1, b1_2,
                                      W_rel2, relu=True)
        acc2 = _sc_msg(t2.reshape(-1, H), gl2, gr2, dst2, N, H)
        h = _tc_finish(acc2, deg3, h1, W_self2, b2_2)
    return h

# --- scband reference (transcript-rebuilt; emitter-appended) ---
"""Pipeline reference for scband-kgsencoder-292057776904 (READ-ONLY COPY).

The authoritative reference and input builder live on the scoring server;
editing this copy changes nothing except your own understanding.
"""

import jax, jax.numpy as jnp
import numpy as np

N = 10000
E = 160000
DIM = 256
R = 16


def _rgcn_layer(h, src, rel, dst, W_rel, W_self, b):
    # per-relation dense transform of all node features: [R, N, F]
    transformed = jnp.einsum('nd,rdf->rnf', h, W_rel)
    # gather per-edge message: transformed[rel_e, src_e]
    msg = transformed[rel, src]  # [E, F]
    deg = jax.ops.segment_sum(jnp.ones((src.shape[0],), jnp.float32), dst, num_segments=N)
    norm = (1.0 / jnp.clip(deg, 1.0, None))[dst]
    agg = jax.ops.segment_sum(msg * norm[:, None], dst, num_segments=N)
    return agg + h @ W_self + b


def setup_inputs(seed: int = 0):
    key = jax.random.key(seed)
    ks = jax.random.split(key, 12)
    src = jax.random.randint(ks[0], (1, E), 0, N, dtype=jnp.int32)
    rel = jax.random.randint(ks[1], (1, E), 0, R, dtype=jnp.int32)
    dst = jax.random.randint(ks[2], (1, E), 0, N, dtype=jnp.int32)
    edges = jnp.stack([src, rel, dst], axis=1)  # [1, 3, E]
    entity_embed_init = jax.random.normal(ks[3], (N, DIM), dtype=jnp.float32)
    s = 1.0 / np.sqrt(DIM)
    W_rel1 = jax.random.normal(ks[4], (R, DIM, DIM), jnp.float32) * s
    W_self1 = jax.random.normal(ks[5], (DIM, DIM), jnp.float32) * s
    b1 = jnp.zeros((DIM,), jnp.float32)
    W_rel2 = jax.random.normal(ks[6], (R, DIM, DIM), jnp.float32) * s
    W_self2 = jax.random.normal(ks[7], (DIM, DIM), jnp.float32) * s
    b2 = jnp.zeros((DIM,), jnp.float32)
    return {
        'edges': edges,
        'entity_embed_init': entity_embed_init,
        'W_rel1': W_rel1, 'W_self1': W_self1, 'b1': b1,
        'W_rel2': W_rel2, 'W_self2': W_self2, 'b2': b2,
    }


def reference(edges, entity_embed_init, W_rel1, W_self1, b1, W_rel2, W_self2, b2):
    # KGSEncoder.forward: loop over list of edge sets, each pass through 2-layer RGCN ([dim, dim, dim])
    h = entity_embed_init
    for i in range(edges.shape[0]):
        src = edges[i, 0]
        rel = edges[i, 1] % R
        dst = edges[i, 2]
        h1 = jax.nn.relu(_rgcn_layer(h, src, rel, dst, W_rel1, W_self1, b1))
        h = _rgcn_layer(h1, src, rel, dst, W_rel2, W_self2, b2)
    return h

if __name__ == "__main__":
    import jax
    _d = setup_inputs()
    print(jax.jit(kernel)(*tuple(_d.values())))

</pallas_src>

<mosaic_0001>
#map = affine_map<(d0, d1) -> (0, 0)>
#map1 = affine_map<(d0, d1) -> (0, 0, 0)>
module attributes {stable_mosaic.version = 14 : i64} {
  func.func @msg_kernel(%arg0: i32, %arg1: i32, %arg2: memref<320000x128xf32, #tpu.memory_space<hbm>>, %arg3: memref<1280x125xi32, #tpu.memory_space<hbm>>, %arg4: memref<1280x125xi32, #tpu.memory_space<hbm>>, %arg5: memref<1280x125xi32, #tpu.memory_space<hbm>>, %arg6: memref<2x10000x128xf32, #tpu.memory_space<hbm>>, %arg7: memref<40x125xi32, #tpu.memory_space<vmem>>, %arg8: memref<40x125xi32, #tpu.memory_space<vmem>>, %arg9: memref<125x128xf32, #tpu.memory_space<vmem>>, %arg10: memref<!tpu.dma_semaphore, #tpu.memory_space<semaphore_mem>>, %arg11: memref<!tpu.dma_semaphore, #tpu.memory_space<semaphore_mem>>, %arg12: memref<10000x128xf32, #tpu.memory_space<vmem_shared>>) attributes {dimension_semantics = [#tpu.dimension_semantics<core_parallel>, #tpu.dimension_semantics<subcore_parallel>], iteration_bounds = array<i64: 2, 16>, scalar_prefetch = 0 : i64, scratch_operands = 6 : i64, tpu.core_type = #tpu.core_type<sc_vector_subcore>, window_params = [{transform_indices = #map}, {transform_indices = #map}, {transform_indices = #map}, {transform_indices = #map}, {transform_indices = #map1}]} {
    %scan3A = arith.constant 0 : i32
    %scan3A_0 = arith.constant 0 : i32
    %scan3A_1 = arith.constant 1000 : i32
    %scan3A_2 = arith.addi %scan3A_0, %scan3A_1 : i32
    %scan3A_3 = arith.constant 1 : i32
    %scan3A_4 = scf.for %scan3A_23 = %scan3A_0 to %scan3A_2 step %scan3A_3 iter_args(%scan3A_24 = %scan3A) -> (i32)  : i32 {
      %broadcast_in_dim3A = arith.constant 0.000000e+00 : f32
      %broadcast_in_dim3A_25 = vector.broadcast %broadcast_in_dim3A : f32 to vector<16xf32>
      %jit3A = arith.constant 8 : i32
      %div3A = arith.divsi %scan3A_23, %jit3A : i32
      %sign3A = arith.constant 0 : i32
      %sign3A_26 = arith.cmpi sgt, %scan3A_23, %sign3A : i32
      %sign3A_27 = arith.extui %sign3A_26 : i1 to i32
      %sign3A_28 = arith.constant 0 : i32
      %sign3A_29 = arith.cmpi slt, %scan3A_23, %sign3A_28 : i32
      %sign3A_30 = arith.extui %sign3A_29 : i1 to i32
      %sign3A_31 = arith.subi %sign3A_27, %sign3A_30 : i32
      %sign3A_32 = arith.constant 0 : i32
      %sign3A_33 = arith.cmpi sgt, %jit3A, %sign3A_32 : i32
      %sign3A_34 = arith.extui %sign3A_33 : i1 to i32
      %sign3A_35 = arith.constant 0 : i32
      %sign3A_36 = arith.cmpi slt, %jit3A, %sign3A_35 : i32
      %sign3A_37 = arith.extui %sign3A_36 : i1 to i32
      %sign3A_38 = arith.subi %sign3A_34, %sign3A_37 : i32
      %ne3A = arith.cmpi ne, %sign3A_31, %sign3A_38 : i32
      %rem3A = arith.remsi %scan3A_23, %jit3A : i32
      %ne3A_39 = arith.constant 0 : i32
      %ne3A_40 = arith.cmpi ne, %rem3A, %ne3A_39 : i32
      %and3A = arith.andi %ne3A, %ne3A_40 : i1
      %sub3A = arith.constant 1 : i32
      %sub3A_41 = arith.subi %div3A, %sub3A : i32
      %select_n3A = arith.select %and3A, %sub3A_41, %div3A : i32
      %jit3A_42 = arith.constant 8 : i32
      %eq3A_43 = arith.constant 0 : i32
      %eq3A_44 = arith.cmpi eq, %jit3A_42, %eq3A_43 : i32
      %jit3A_45 = arith.constant 1 : i32
      %select_n3A_46 = arith.select %eq3A_44, %jit3A_45, %jit3A_42 : i32
      %rem3A_47 = arith.remsi %scan3A_23, %select_n3A_46 : i32
      %ne3A_48 = arith.constant 0 : i32
      %ne3A_49 = arith.cmpi ne, %rem3A_47, %ne3A_48 : i32
      %lt3A_50 = arith.constant 0 : i32
      %lt3A_51 = arith.cmpi slt, %rem3A_47, %lt3A_50 : i32
      %lt3A_52 = arith.constant 0 : i32
      %lt3A_53 = arith.cmpi slt, %select_n3A_46, %lt3A_52 : i32
      %ne3A_54 = arith.xori %lt3A_51, %lt3A_53 : i1
      %and3A_55 = arith.andi %ne3A_54, %ne3A_49 : i1
      %add3A = arith.addi %rem3A_47, %select_n3A_46 : i32
      %select_n3A_56 = arith.select %and3A_55, %add3A, %rem3A_47 : i32
      %mul3A = arith.constant 16 : i32
      %mul3A_57 = arith.muli %select_n3A_56, %mul3A : i32
      %swap3A = arith.index_cast %select_n3A : i32 to index
      %swap3A_58 = arith.index_cast %mul3A_57 : i32 to index
      %swap3A_59 = tpu.vector_load %arg9[%swap3A, %swap3A_58] {strides = array<i32>} : memref<125x128xf32, #tpu.memory_space<vmem>>, vector<1x16xf32>,
      %swap3A_60 = vector.shape_cast %swap3A_59 : vector<1x16xf32> to vector<16xf32>
      %swap3A_61 = vector.shape_cast %broadcast_in_dim3A_25 : vector<16xf32> to vector<1x16xf32>
      tpu.vector_store %arg9[%swap3A, %swap3A_58], %swap3A_61 {strides = array<i32>} : memref<125x128xf32, #tpu.memory_space<vmem>>, vector<1x16xf32>,
      %scan3A_62 = arith.constant 0 : i32
      scf.yield %scan3A_62 : i32
    }
    %scan3A_5 = arith.constant 1000 : i32
    %lt3A = arith.constant 10 : i32
    %lt3A_6 = arith.cmpi slt, %arg1, %lt3A : i32
    %convert_element_type3A = arith.extui %lt3A_6 : i1 to i32
    %cond3A = arith.constant 0 : i32
    %cond3A_7 = arith.cmpi ne, %convert_element_type3A, %cond3A : i32
    scf.if %cond3A_7 {
      %scan3A_23 = arith.constant 0 : i32
      %scan3A_24 = arith.constant 0 : i32
      %scan3A_25 = arith.constant 25 : i32
      %scan3A_26 = arith.addi %scan3A_24, %scan3A_25 : i32
      %scan3A_27 = arith.constant 1 : i32
      %scan3A_28 = scf.for %scan3A_30 = %scan3A_24 to %scan3A_26 step %scan3A_27 iter_args(%scan3A_31 = %scan3A_23) -> (i32)  : i32 {
        %mul3A = arith.constant 1000 : i32
        %mul3A_32 = arith.muli %arg1, %mul3A : i32
        %mul3A_33 = arith.constant 40 : i32
        %mul3A_34 = arith.muli %scan3A_30, %mul3A_33 : i32
        %add3A = arith.addi %mul3A_32, %mul3A_34 : i32
        "tpu.region"() ({
          %run_scoped3A = tpu.sem_alloc : memref<!tpu.dma_semaphore, #tpu.memory_space<semaphore_mem>>
          %dma_start3A = arith.constant 0 : i32
          %dma_start3A_36 = arith.constant 0 : i32
          %dma_start3A_37 = tpu.memref_slice %arg9[%dma_start3A, %dma_start3A_36] : memref<125x128xf32, #tpu.memory_space<vmem>> -> memref<40x128xf32, #tpu.memory_space<vmem>>
          %dma_start3A_38 = arith.constant 0 : i32
          %dma_start3A_39 = tpu.memref_slice %arg12[%add3A, %dma_start3A_38] : memref<10000x128xf32, #tpu.memory_space<vmem_shared>> -> memref<40x128xf32, #tpu.memory_space<vmem_shared>>
          %dma_start3A_40 = arith.constant 0 : i32
          %dma_start3A_41 = tpu.memref_slice %arg12[%add3A, %dma_start3A_40] : memref<10000x128xf32, #tpu.memory_space<vmem_shared>> -> memref<40x128xf32, #tpu.memory_space<vmem_shared>>
          %dma_start3A_42 = arith.constant 0 : i32
          %dma_start3A_43 = arith.constant 0 : i32
          %dma_start3A_44 = tpu.memref_slice %arg9[%dma_start3A_42, %dma_start3A_43] : memref<125x128xf32, #tpu.memory_space<vmem>> -> memref<40x128xf32, #tpu.memory_space<vmem>>
          tpu.enqueue_dma source(%dma_start3A_44 : memref<40x128xf32, #tpu.memory_space<vmem>>) target(%dma_start3A_41 : memref<40x128xf32, #tpu.memory_space<vmem_shared>>) target_semaphore(%run_scoped3A : memref<!tpu.dma_semaphore, #tpu.memory_space<semaphore_mem>>)
          %dma_wait3A = arith.constant 0 : i32
          %dma_wait3A_45 = arith.constant 0 : i32
          %dma_wait3A_46 = tpu.memref_slice %arg9[%dma_wait3A, %dma_wait3A_45] : memref<125x128xf32, #tpu.memory_space<vmem>> -> memref<40x128xf32, #tpu.memory_space<vmem>>
          %dma_wait3A_47 = arith.constant 0 : i32
          %dma_wait3A_48 = tpu.memref_slice %arg12[%add3A, %dma_wait3A_47] : memref<10000x128xf32, #tpu.memory_space<vmem_shared>> -> memref<40x128xf32, #tpu.memory_space<vmem_shared>>
          %dma_wait3A_49 = arith.constant 0 : i32
          %dma_wait3A_50 = tpu.memref_slice %arg12[%add3A, %dma_wait3A_49] : memref<10000x128xf32, #tpu.memory_space<vmem_shared>> -> memref<40x128xf32, #tpu.memory_space<vmem_shared>>
          %dma_wait3A_51 = arith.constant 0 : i32
          %dma_wait3A_52 = arith.constant 0 : i32
          %dma_wait3A_53 = tpu.memref_slice %arg9[%dma_wait3A_51, %dma_wait3A_52] : memref<125x128xf32, #tpu.memory_space<vmem>> -> memref<40x128xf32, #tpu.memory_space<vmem>>
          tpu.wait_dma2 semaphore(%run_scoped3A : memref<!tpu.dma_semaphore, #tpu.memory_space<semaphore_mem>>) src(%dma_wait3A_53 : memref<40x128xf32, #tpu.memory_space<vmem>>) dst(%dma_wait3A_50 : memref<40x128xf32, #tpu.memory_space<vmem_shared>>)
          tpu.yield
        }) : () -> ()
        %scan3A_35 = arith.constant 0 : i32
        scf.yield %scan3A_35 : i32
      }
      %scan3A_29 = arith.constant 25 : i32
    } else {
    }
    %barrier3A = arith.constant 0 : index
    tpu.barrier barrier_id(%barrier3A)
    %eq3A = arith.constant 0 : i32
    %eq3A_8 = arith.cmpi eq, %arg0, %eq3A : i32
    %convert_element_type3A_9 = arith.extui %eq3A_8 : i1 to i32
    %cond3A_10 = arith.constant 0 : i32
    %cond3A_11 = arith.cmpi ne, %convert_element_type3A_9, %cond3A_10 : i32
    scf.if %cond3A_11 {
      %mul3A = arith.constant 80 : i32
      %mul3A_23 = arith.muli %arg1, %mul3A : i32
      %add3A = arith.constant 0 : i32
      %add3A_24 = arith.addi %mul3A_23, %add3A : i32
      "tpu.region"() ({
        %run_scoped3A = tpu.sem_alloc : memref<!tpu.dma_semaphore, #tpu.memory_space<semaphore_mem>>
        %dma_start3A = arith.constant 0 : i32
        %dma_start3A_51 = tpu.memref_slice %arg3[%add3A_24, %dma_start3A] : memref<1280x125xi32, #tpu.memory_space<hbm>> -> memref<40x125xi32, #tpu.memory_space<hbm>>
        %dma_start3A_52 = arith.constant 0 : i32
        %dma_start3A_53 = tpu.memref_slice %arg3[%add3A_24, %dma_start3A_52] : memref<1280x125xi32, #tpu.memory_space<hbm>> -> memref<40x125xi32, #tpu.memory_space<hbm>>
        tpu.enqueue_dma source(%dma_start3A_53 : memref<40x125xi32, #tpu.memory_space<hbm>>) target(%arg7 : memref<40x125xi32, #tpu.memory_space<vmem>>) target_semaphore(%run_scoped3A : memref<!tpu.dma_semaphore, #tpu.memory_space<semaphore_mem>>)
        %dma_wait3A = arith.constant 0 : i32
        %dma_wait3A_54 = tpu.memref_slice %arg3[%add3A_24, %dma_wait3A] : memref<1280x125xi32, #tpu.memory_space<hbm>> -> memref<40x125xi32, #tpu.memory_space<hbm>>
        %dma_wait3A_55 = arith.constant 0 : i32
        %dma_wait3A_56 = tpu.memref_slice %arg3[%add3A_24, %dma_wait3A_55] : memref<1280x125xi32, #tpu.memory_space<hbm>> -> memref<40x125xi32, #tpu.memory_space<hbm>>
        tpu.wait_dma2 semaphore(%run_scoped3A : memref<!tpu.dma_semaphore, #tpu.memory_space<semaphore_mem>>) src(%dma_wait3A_56 : memref<40x125xi32, #tpu.memory_space<hbm>>) dst(%arg7 : memref<40x125xi32, #tpu.memory_space<vmem>>)
        tpu.yield
      }) : () -> ()
      %mul3A_25 = arith.constant 80 : i32
      %mul3A_26 = arith.muli %arg1, %mul3A_25 : i32
      %add3A_27 = arith.constant 0 : i32
      %add3A_28 = arith.addi %mul3A_26, %add3A_27 : i32
      "tpu.region"() ({
        %run_scoped3A = tpu.sem_alloc : memref<!tpu.dma_semaphore, #tpu.memory_space<semaphore_mem>>
        %dma_start3A = arith.constant 0 : i32
        %dma_start3A_51 = tpu.memref_slice %arg5[%add3A_28, %dma_start3A] : memref<1280x125xi32, #tpu.memory_space<hbm>> -> memref<40x125xi32, #tpu.memory_space<hbm>>
        %dma_start3A_52 = arith.constant 0 : i32
        %dma_start3A_53 = tpu.memref_slice %arg5[%add3A_28, %dma_start3A_52] : memref<1280x125xi32, #tpu.memory_space<hbm>> -> memref<40x125xi32, #tpu.memory_space<hbm>>
        tpu.enqueue_dma source(%dma_start3A_53 : memref<40x125xi32, #tpu.memory_space<hbm>>) target(%arg8 : memref<40x125xi32, #tpu.memory_space<vmem>>) target_semaphore(%run_scoped3A : memref<!tpu.dma_semaphore, #tpu.memory_space<semaphore_mem>>)
        %dma_wait3A = arith.constant 0 : i32
        %dma_wait3A_54 = tpu.memref_slice %arg5[%add3A_28, %dma_wait3A] : memref<1280x125xi32, #tpu.memory_space<hbm>> -> memref<40x125xi32, #tpu.memory_space<hbm>>
        %dma_wait3A_55 = arith.constant 0 : i32
        %dma_wait3A_56 = tpu.memref_slice %arg5[%add3A_28, %dma_wait3A_55] : memref<1280x125xi32, #tpu.memory_space<hbm>> -> memref<40x125xi32, #tpu.memory_space<hbm>>
        tpu.wait_dma2 semaphore(%run_scoped3A : memref<!tpu.dma_semaphore, #tpu.memory_space<semaphore_mem>>) src(%dma_wait3A_56 : memref<40x125xi32, #tpu.memory_space<hbm>>) dst(%arg8 : memref<40x125xi32, #tpu.memory_space<vmem>>)
        tpu.yield
      }) : () -> ()
      %scan3A_29 = arith.constant 0 : i32
      %scan3A_30 = arith.constant 0 : i32
      %scan3A_31 = arith.constant 40 : i32
      %scan3A_32 = arith.addi %scan3A_30, %scan3A_31 : i32
      %scan3A_33 = arith.constant 1 : i32
      %scan3A_34 = scf.for %scan3A_51 = %scan3A_30 to %scan3A_32 step %scan3A_33 iter_args(%scan3A_52 = %scan3A_29) -> (i32)  : i32 {
        %dma_start3A = arith.constant 0 : i32
        %dma_start3A_53 = tpu.memref_slice %arg7[%scan3A_51, %dma_start3A] : memref<40x125xi32, #tpu.memory_space<vmem>> -> memref<1x125xi32, #tpu.memory_space<vmem>>
        %dma_start3A_54 = tpu.memref_squeeze %dma_start3A_53 : memref<1x125xi32, #tpu.memory_space<vmem>> -> memref<125xi32, #tpu.memory_space<vmem>>
        %dma_start3A_55 = arith.constant 0 : i32
        %dma_start3A_56 = arith.constant 0 : i32
        %dma_start3A_57 = tpu.memref_slice %arg2[%dma_start3A_55, %dma_start3A_56] : memref<320000x128xf32, #tpu.memory_space<hbm>> -> memref<320000x128xf32, #tpu.memory_space<hbm>>
        tpu.enqueue_indirect_dma source(%dma_start3A_57 : memref<320000x128xf32, #tpu.memory_space<hbm>>) target(%arg9 : memref<125x128xf32, #tpu.memory_space<vmem>>) offsets(%dma_start3A_54 : memref<125xi32, #tpu.memory_space<vmem>>) semaphore(%arg10 : memref<!tpu.dma_semaphore, #tpu.memory_space<semaphore_mem>>)
        %dma_wait3A = arith.constant 0 : i32
        %dma_wait3A_58 = tpu.memref_slice %arg7[%scan3A_51, %dma_wait3A] : memref<40x125xi32, #tpu.memory_space<vmem>> -> memref<1x125xi32, #tpu.memory_space<vmem>>
        %dma_wait3A_59 = tpu.memref_squeeze %dma_wait3A_58 : memref<1x125xi32, #tpu.memory_space<vmem>> -> memref<125xi32, #tpu.memory_space<vmem>>
        %dma_wait3A_60 = arith.constant 0 : i32
        %dma_wait3A_61 = arith.constant 0 : i32
        %dma_wait3A_62 = tpu.memref_slice %arg2[%dma_wait3A_60, %dma_wait3A_61] : memref<320000x128xf32, #tpu.memory_space<hbm>> -> memref<320000x128xf32, #tpu.memory_space<hbm>>
        tpu.wait_indirect_dma semaphore(%arg10 : memref<!tpu.dma_semaphore, #tpu.memory_space<semaphore_mem>>) src(%dma_wait3A_62 : memref<320000x128xf32, #tpu.memory_space<hbm>>) dst(%arg9 : memref<125x128xf32, #tpu.memory_space<vmem>>)
        %dma_start3A_63 = arith.constant 0 : i32
        %dma_start3A_64 = tpu.memref_slice %arg8[%scan3A_51, %dma_start3A_63] : memref<40x125xi32, #tpu.memory_space<vmem>> -> memref<1x125xi32, #tpu.memory_space<vmem>>
        %dma_start3A_65 = tpu.memref_squeeze %dma_start3A_64 : memref<1x125xi32, #tpu.memory_space<vmem>> -> memref<125xi32, #tpu.memory_space<vmem>>
        %dma_start3A_66 = arith.constant 0 : i32
        %dma_start3A_67 = arith.constant 0 : i32
        %dma_start3A_68 = tpu.memref_slice %arg12[%dma_start3A_66, %dma_start3A_67] : memref<10000x128xf32, #tpu.memory_space<vmem_shared>> -> memref<10000x128xf32, #tpu.memory_space<vmem_shared>>
        tpu.enqueue_indirect_dma source(%arg9 : memref<125x128xf32, #tpu.memory_space<vmem>>) target(%dma_start3A_68 : memref<10000x128xf32, #tpu.memory_space<vmem_shared>>) offsets(%dma_start3A_65 : memref<125xi32, #tpu.memory_space<vmem>>) semaphore(%arg11 : memref<!tpu.dma_semaphore, #tpu.memory_space<semaphore_mem>>) {add = true}
        %dma_wait3A_69 = arith.constant 0 : i32
        %dma_wait3A_70 = tpu.memref_slice %arg8[%scan3A_51, %dma_wait3A_69] : memref<40x125xi32, #tpu.memory_space<vmem>> -> memref<1x125xi32, #tpu.memory_space<vmem>>
        %dma_wait3A_71 = tpu.memref_squeeze %dma_wait3A_70 : memref<1x125xi32, #tpu.memory_space<vmem>> -> memref<125xi32, #tpu.memory_space<vmem>>
        %dma_wait3A_72 = arith.constant 0 : i32
        %dma_wait3A_73 = arith.constant 0 : i32
        %dma_wait3A_74 = tpu.memref_slice %arg12[%dma_wait3A_72, %dma_wait3A_73] : memref<10000x128xf32, #tpu.memory_space<vmem_shared>> -> memref<10000x128xf32, #tpu.memory_space<vmem_shared>>
        tpu.wait_indirect_dma semaphore(%arg11 : memref<!tpu.dma_semaphore, #tpu.memory_space<semaphore_mem>>) src(%arg9 : memref<125x128xf32, #tpu.memory_space<vmem>>) dst(%dma_wait3A_74 : memref<10000x128xf32, #tpu.memory_space<vmem_shared>>)
        %scan3A_75 = arith.constant 0 : i32
        scf.yield %scan3A_75 : i32
      }
      %scan3A_35 = arith.constant 40 : i32
      %mul3A_36 = arith.constant 80 : i32
      %mul3A_37 = arith.muli %arg1, %mul3A_36 : i32
      %add3A_38 = arith.constant 40 : i32
      %add3A_39 = arith.addi %mul3A_37, %add3A_38 : i32
      "tpu.region"() ({
        %run_scoped3A = tpu.sem_alloc : memref<!tpu.dma_semaphore, #tpu.memory_space<semaphore_mem>>
        %dma_start3A = arith.constant 0 : i32
        %dma_start3A_51 = tpu.memref_slice %arg3[%add3A_39, %dma_start3A] : memref<1280x125xi32, #tpu.memory_space<hbm>> -> memref<40x125xi32, #tpu.memory_space<hbm>>
        %dma_start3A_52 = arith.constant 0 : i32
        %dma_start3A_53 = tpu.memref_slice %arg3[%add3A_39, %dma_start3A_52] : memref<1280x125xi32, #tpu.memory_space<hbm>> -> memref<40x125xi32, #tpu.memory_space<hbm>>
        tpu.enqueue_dma source(%dma_start3A_53 : memref<40x125xi32, #tpu.memory_space<hbm>>) target(%arg7 : memref<40x125xi32, #tpu.memory_space<vmem>>) target_semaphore(%run_scoped3A : memref<!tpu.dma_semaphore, #tpu.memory_space<semaphore_mem>>)
        %dma_wait3A = arith.constant 0 : i32
        %dma_wait3A_54 = tpu.memref_slice %arg3[%add3A_39, %dma_wait3A] : memref<1280x125xi32, #tpu.memory_space<hbm>> -> memref<40x125xi32, #tpu.memory_space<hbm>>
        %dma_wait3A_55 = arith.constant 0 : i32
        %dma_wait3A_56 = tpu.memref_slice %arg3[%add3A_39, %dma_wait3A_55] : memref<1280x125xi32, #tpu.memory_space<hbm>> -> memref<40x125xi32, #tpu.memory_space<hbm>>
        tpu.wait_dma2 semaphore(%run_scoped3A : memref<!tpu.dma_semaphore, #tpu.memory_space<semaphore_mem>>) src(%dma_wait3A_56 : memref<40x125xi32, #tpu.memory_space<hbm>>) dst(%arg7 : memref<40x125xi32, #tpu.memory_space<vmem>>)
        tpu.yield
      }) : () -> ()
      %mul3A_40 = arith.constant 80 : i32
      %mul3A_41 = arith.muli %arg1, %mul3A_40 : i32
      %add3A_42 = arith.constant 40 : i32
      %add3A_43 = arith.addi %mul3A_41, %add3A_42 : i32
      "tpu.region"() ({
        %run_scoped3A = tpu.sem_alloc : memref<!tpu.dma_semaphore, #tpu.memory_space<semaphore_mem>>
        %dma_start3A = arith.constant 0 : i32
        %dma_start3A_51 = tpu.memref_slice %arg5[%add3A_43, %dma_start3A] : memref<1280x125xi32, #tpu.memory_space<hbm>> -> memref<40x125xi32, #tpu.memory_space<hbm>>
        %dma_start3A_52 = arith.constant 0 : i32
        %dma_start3A_53 = tpu.memref_slice %arg5[%add3A_43, %dma_start3A_52] : memref<1280x125xi32, #tpu.memory_space<hbm>> -> memref<40x125xi32, #tpu.memory_space<hbm>>
        tpu.enqueue_dma source(%dma_start3A_53 : memref<40x125xi32, #tpu.memory_space<hbm>>) target(%arg8 : memref<40x125xi32, #tpu.memory_space<vmem>>) target_semaphore(%run_scoped3A : memref<!tpu.dma_semaphore, #tpu.memory_space<semaphore_mem>>)
        %dma_wait3A = arith.constant 0 : i32
        %dma_wait3A_54 = tpu.memref_slice %arg5[%add3A_43, %dma_wait3A] : memref<1280x125xi32, #tpu.memory_space<hbm>> -> memref<40x125xi32, #tpu.memory_space<hbm>>
        %dma_wait3A_55 = arith.constant 0 : i32
        %dma_wait3A_56 = tpu.memref_slice %arg5[%add3A_43, %dma_wait3A_55] : memref<1280x125xi32, #tpu.memory_space<hbm>> -> memref<40x125xi32, #tpu.memory_space<hbm>>
        tpu.wait_dma2 semaphore(%run_scoped3A : memref<!tpu.dma_semaphore, #tpu.memory_space<semaphore_mem>>) src(%dma_wait3A_56 : memref<40x125xi32, #tpu.memory_space<hbm>>) dst(%arg8 : memref<40x125xi32, #tpu.memory_space<vmem>>)
        tpu.yield
      }) : () -> ()
      %scan3A_44 = arith.constant 0 : i32
      %scan3A_45 = arith.constant 0 : i32
      %scan3A_46 = arith.constant 40 : i32
      %scan3A_47 = arith.addi %scan3A_45, %scan3A_46 : i32
      %scan3A_48 = arith.constant 1 : i32
      %scan3A_49 = scf.for %scan3A_51 = %scan3A_45 to %scan3A_47 step %scan3A_48 iter_args(%scan3A_52 = %scan3A_44) -> (i32)  : i32 {
        %dma_start3A = arith.constant 0 : i32
        %dma_start3A_53 = tpu.memref_slice %arg7[%scan3A_51, %dma_start3A] : memref<40x125xi32, #tpu.memory_space<vmem>> -> memref<1x125xi32, #tpu.memory_space<vmem>>
        %dma_start3A_54 = tpu.memref_squeeze %dma_start3A_53 : memref<1x125xi32, #tpu.memory_space<vmem>> -> memref<125xi32, #tpu.memory_space<vmem>>
        %dma_start3A_55 = arith.constant 0 : i32
        %dma_start3A_56 = arith.constant 0 : i32
        %dma_start3A_57 = tpu.memref_slice %arg2[%dma_start3A_55, %dma_start3A_56] : memref<320000x128xf32, #tpu.memory_space<hbm>> -> memref<320000x128xf32, #tpu.memory_space<hbm>>
        tpu.enqueue_indirect_dma source(%dma_start3A_57 : memref<320000x128xf32, #tpu.memory_space<hbm>>) target(%arg9 : memref<125x128xf32, #tpu.memory_space<vmem>>) offsets(%dma_start3A_54 : memref<125xi32, #tpu.memory_space<vmem>>) semaphore(%arg10 : memref<!tpu.dma_semaphore, #tpu.memory_space<semaphore_mem>>)
        %dma_wait3A = arith.constant 0 : i32
        %dma_wait3A_58 = tpu.memref_slice %arg7[%scan3A_51, %dma_wait3A] : memref<40x125xi32, #tpu.memory_space<vmem>> -> memref<1x125xi32, #tpu.memory_space<vmem>>
        %dma_wait3A_59 = tpu.memref_squeeze %dma_wait3A_58 : memref<1x125xi32, #tpu.memory_space<vmem>> -> memref<125xi32, #tpu.memory_space<vmem>>
        %dma_wait3A_60 = arith.constant 0 : i32
        %dma_wait3A_61 = arith.constant 0 : i32
        %dma_wait3A_62 = tpu.memref_slice %arg2[%dma_wait3A_60, %dma_wait3A_61] : memref<320000x128xf32, #tpu.memory_space<hbm>> -> memref<320000x128xf32, #tpu.memory_space<hbm>>
        tpu.wait_indirect_dma semaphore(%arg10 : memref<!tpu.dma_semaphore, #tpu.memory_space<semaphore_mem>>) src(%dma_wait3A_62 : memref<320000x128xf32, #tpu.memory_space<hbm>>) dst(%arg9 : memref<125x128xf32, #tpu.memory_space<vmem>>)
        %dma_start3A_63 = arith.constant 0 : i32
        %dma_start3A_64 = tpu.memref_slice %arg8[%scan3A_51, %dma_start3A_63] : memref<40x125xi32, #tpu.memory_space<vmem>> -> memref<1x125xi32, #tpu.memory_space<vmem>>
        %dma_start3A_65 = tpu.memref_squeeze %dma_start3A_64 : memref<1x125xi32, #tpu.memory_space<vmem>> -> memref<125xi32, #tpu.memory_space<vmem>>
        %dma_start3A_66 = arith.constant 0 : i32
        %dma_start3A_67 = arith.constant 0 : i32
        %dma_start3A_68 = tpu.memref_slice %arg12[%dma_start3A_66, %dma_start3A_67] : memref<10000x128xf32, #tpu.memory_space<vmem_shared>> -> memref<10000x128xf32, #tpu.memory_space<vmem_shared>>
        tpu.enqueue_indirect_dma source(%arg9 : memref<125x128xf32, #tpu.memory_space<vmem>>) target(%dma_start3A_68 : memref<10000x128xf32, #tpu.memory_space<vmem_shared>>) offsets(%dma_start3A_65 : memref<125xi32, #tpu.memory_space<vmem>>) semaphore(%arg11 : memref<!tpu.dma_semaphore, #tpu.memory_space<semaphore_mem>>) {add = true}
        %dma_wait3A_69 = arith.constant 0 : i32
        %dma_wait3A_70 = tpu.memref_slice %arg8[%scan3A_51, %dma_wait3A_69] : memref<40x125xi32, #tpu.memory_space<vmem>> -> memref<1x125xi32, #tpu.memory_space<vmem>>
        %dma_wait3A_71 = tpu.memref_squeeze %dma_wait3A_70 : memref<1x125xi32, #tpu.memory_space<vmem>> -> memref<125xi32, #tpu.memory_space<vmem>>
        %dma_wait3A_72 = arith.constant 0 : i32
        %dma_wait3A_73 = arith.constant 0 : i32
        %dma_wait3A_74 = tpu.memref_slice %arg12[%dma_wait3A_72, %dma_wait3A_73] : memref<10000x128xf32, #tpu.memory_space<vmem_shared>> -> memref<10000x128xf32, #tpu.memory_space<vmem_shared>>
        tpu.wait_indirect_dma semaphore(%arg11 : memref<!tpu.dma_semaphore, #tpu.memory_space<semaphore_mem>>) src(%arg9 : memref<125x128xf32, #tpu.memory_space<vmem>>) dst(%dma_wait3A_74 : memref<10000x128xf32, #tpu.memory_space<vmem_shared>>)
        %scan3A_75 = arith.constant 0 : i32
        scf.yield %scan3A_75 : i32
      }
      %scan3A_50 = arith.constant 40 : i32
    } else {
    }
    %eq3A_12 = arith.constant 1 : i32
    %eq3A_13 = arith.cmpi eq, %arg0, %eq3A_12 : i32
    %convert_element_type3A_14 = arith.extui %eq3A_13 : i1 to i32
    %cond3A_15 = arith.constant 0 : i32
    %cond3A_16 = arith.cmpi ne, %convert_element_type3A_14, %cond3A_15 : i32
    scf.if %cond3A_16 {
      %mul3A = arith.constant 80 : i32
      %mul3A_23 = arith.muli %arg1, %mul3A : i32
      %add3A = arith.constant 0 : i32
      %add3A_24 = arith.addi %mul3A_23, %add3A : i32
      "tpu.region"() ({
        %run_scoped3A = tpu.sem_alloc : memref<!tpu.dma_semaphore, #tpu.memory_space<semaphore_mem>>
        %dma_start3A = arith.constant 0 : i32
        %dma_start3A_51 = tpu.memref_slice %arg4[%add3A_24, %dma_start3A] : memref<1280x125xi32, #tpu.memory_space<hbm>> -> memref<40x125xi32, #tpu.memory_space<hbm>>
        %dma_start3A_52 = arith.constant 0 : i32
        %dma_start3A_53 = tpu.memref_slice %arg4[%add3A_24, %dma_start3A_52] : memref<1280x125xi32, #tpu.memory_space<hbm>> -> memref<40x125xi32, #tpu.memory_space<hbm>>
        tpu.enqueue_dma source(%dma_start3A_53 : memref<40x125xi32, #tpu.memory_space<hbm>>) target(%arg7 : memref<40x125xi32, #tpu.memory_space<vmem>>) target_semaphore(%run_scoped3A : memref<!tpu.dma_semaphore, #tpu.memory_space<semaphore_mem>>)
        %dma_wait3A = arith.constant 0 : i32
        %dma_wait3A_54 = tpu.memref_slice %arg4[%add3A_24, %dma_wait3A] : memref<1280x125xi32, #tpu.memory_space<hbm>> -> memref<40x125xi32, #tpu.memory_space<hbm>>
        %dma_wait3A_55 = arith.constant 0 : i32
        %dma_wait3A_56 = tpu.memref_slice %arg4[%add3A_24, %dma_wait3A_55] : memref<1280x125xi32, #tpu.memory_space<hbm>> -> memref<40x125xi32, #tpu.memory_space<hbm>>
        tpu.wait_dma2 semaphore(%run_scoped3A : memref<!tpu.dma_semaphore, #tpu.memory_space<semaphore_mem>>) src(%dma_wait3A_56 : memref<40x125xi32, #tpu.memory_space<hbm>>) dst(%arg7 : memref<40x125xi32, #tpu.memory_space<vmem>>)
        tpu.yield
      }) : () -> ()
      %mul3A_25 = arith.constant 80 : i32
      %mul3A_26 = arith.muli %arg1, %mul3A_25 : i32
      %add3A_27 = arith.constant 0 : i32
      %add3A_28 = arith.addi %mul3A_26, %add3A_27 : i32
      "tpu.region"() ({
        %run_scoped3A = tpu.sem_alloc : memref<!tpu.dma_semaphore, #tpu.memory_space<semaphore_mem>>
        %dma_start3A = arith.constant 0 : i32
        %dma_start3A_51 = tpu.memref_slice %arg5[%add3A_28, %dma_start3A] : memref<1280x125xi32, #tpu.memory_space<hbm>> -> memref<40x125xi32, #tpu.memory_space<hbm>>
        %dma_start3A_52 = arith.constant 0 : i32
        %dma_start3A_53 = tpu.memref_slice %arg5[%add3A_28, %dma_start3A_52] : memref<1280x125xi32, #tpu.memory_space<hbm>> -> memref<40x125xi32, #tpu.memory_space<hbm>>
        tpu.enqueue_dma source(%dma_start3A_53 : memref<40x125xi32, #tpu.memory_space<hbm>>) target(%arg8 : memref<40x125xi32, #tpu.memory_space<vmem>>) target_semaphore(%run_scoped3A : memref<!tpu.dma_semaphore, #tpu.memory_space<semaphore_mem>>)
        %dma_wait3A = arith.constant 0 : i32
        %dma_wait3A_54 = tpu.memref_slice %arg5[%add3A_28, %dma_wait3A] : memref<1280x125xi32, #tpu.memory_space<hbm>> -> memref<40x125xi32, #tpu.memory_space<hbm>>
        %dma_wait3A_55 = arith.constant 0 : i32
        %dma_wait3A_56 = tpu.memref_slice %arg5[%add3A_28, %dma_wait3A_55] : memref<1280x125xi32, #tpu.memory_space<hbm>> -> memref<40x125xi32, #tpu.memory_space<hbm>>
        tpu.wait_dma2 semaphore(%run_scoped3A : memref<!tpu.dma_semaphore, #tpu.memory_space<semaphore_mem>>) src(%dma_wait3A_56 : memref<40x125xi32, #tpu.memory_space<hbm>>) dst(%arg8 : memref<40x125xi32, #tpu.memory_space<vmem>>)
        tpu.yield
      }) : () -> ()
      %scan3A_29 = arith.constant 0 : i32
      %scan3A_30 = arith.constant 0 : i32
      %scan3A_31 = arith.constant 40 : i32
      %scan3A_32 = arith.addi %scan3A_30, %scan3A_31 : i32
      %scan3A_33 = arith.constant 1 : i32
      %scan3A_34 = scf.for %scan3A_51 = %scan3A_30 to %scan3A_32 step %scan3A_33 iter_args(%scan3A_52 = %scan3A_29) -> (i32)  : i32 {
        %dma_start3A = arith.constant 0 : i32
        %dma_start3A_53 = tpu.memref_slice %arg7[%scan3A_51, %dma_start3A] : memref<40x125xi32, #tpu.memory_space<vmem>> -> memref<1x125xi32, #tpu.memory_space<vmem>>
        %dma_start3A_54 = tpu.memref_squeeze %dma_start3A_53 : memref<1x125xi32, #tpu.memory_space<vmem>> -> memref<125xi32, #tpu.memory_space<vmem>>
        %dma_start3A_55 = arith.constant 0 : i32
        %dma_start3A_56 = arith.constant 0 : i32
        %dma_start3A_57 = tpu.memref_slice %arg2[%dma_start3A_55, %dma_start3A_56] : memref<320000x128xf32, #tpu.memory_space<hbm>> -> memref<320000x128xf32, #tpu.memory_space<hbm>>
        tpu.enqueue_indirect_dma source(%dma_start3A_57 : memref<320000x128xf32, #tpu.memory_space<hbm>>) target(%arg9 : memref<125x128xf32, #tpu.memory_space<vmem>>) offsets(%dma_start3A_54 : memref<125xi32, #tpu.memory_space<vmem>>) semaphore(%arg10 : memref<!tpu.dma_semaphore, #tpu.memory_space<semaphore_mem>>)
        %dma_wait3A = arith.constant 0 : i32
        %dma_wait3A_58 = tpu.memref_slice %arg7[%scan3A_51, %dma_wait3A] : memref<40x125xi32, #tpu.memory_space<vmem>> -> memref<1x125xi32, #tpu.memory_space<vmem>>
        %dma_wait3A_59 = tpu.memref_squeeze %dma_wait3A_58 : memref<1x125xi32, #tpu.memory_space<vmem>> -> memref<125xi32, #tpu.memory_space<vmem>>
        %dma_wait3A_60 = arith.constant 0 : i32
        %dma_wait3A_61 = arith.constant 0 : i32
        %dma_wait3A_62 = tpu.memref_slice %arg2[%dma_wait3A_60, %dma_wait3A_61] : memref<320000x128xf32, #tpu.memory_space<hbm>> -> memref<320000x128xf32, #tpu.memory_space<hbm>>
        tpu.wait_indirect_dma semaphore(%arg10 : memref<!tpu.dma_semaphore, #tpu.memory_space<semaphore_mem>>) src(%dma_wait3A_62 : memref<320000x128xf32, #tpu.memory_space<hbm>>) dst(%arg9 : memref<125x128xf32, #tpu.memory_space<vmem>>)
        %dma_start3A_63 = arith.constant 0 : i32
        %dma_start3A_64 = tpu.memref_slice %arg8[%scan3A_51, %dma_start3A_63] : memref<40x125xi32, #tpu.memory_space<vmem>> -> memref<1x125xi32, #tpu.memory_space<vmem>>
        %dma_start3A_65 = tpu.memref_squeeze %dma_start3A_64 : memref<1x125xi32, #tpu.memory_space<vmem>> -> memref<125xi32, #tpu.memory_space<vmem>>
        %dma_start3A_66 = arith.constant 0 : i32
        %dma_start3A_67 = arith.constant 0 : i32
        %dma_start3A_68 = tpu.memref_slice %arg12[%dma_start3A_66, %dma_start3A_67] : memref<10000x128xf32, #tpu.memory_space<vmem_shared>> -> memref<10000x128xf32, #tpu.memory_space<vmem_shared>>
        tpu.enqueue_indirect_dma source(%arg9 : memref<125x128xf32, #tpu.memory_space<vmem>>) target(%dma_start3A_68 : memref<10000x128xf32, #tpu.memory_space<vmem_shared>>) offsets(%dma_start3A_65 : memref<125xi32, #tpu.memory_space<vmem>>) semaphore(%arg11 : memref<!tpu.dma_semaphore, #tpu.memory_space<semaphore_mem>>) {add = true}
        %dma_wait3A_69 = arith.constant 0 : i32
        %dma_wait3A_70 = tpu.memref_slice %arg8[%scan3A_51, %dma_wait3A_69] : memref<40x125xi32, #tpu.memory_space<vmem>> -> memref<1x125xi32, #tpu.memory_space<vmem>>
        %dma_wait3A_71 = tpu.memref_squeeze %dma_wait3A_70 : memref<1x125xi32, #tpu.memory_space<vmem>> -> memref<125xi32, #tpu.memory_space<vmem>>
        %dma_wait3A_72 = arith.constant 0 : i32
        %dma_wait3A_73 = arith.constant 0 : i32
        %dma_wait3A_74 = tpu.memref_slice %arg12[%dma_wait3A_72, %dma_wait3A_73] : memref<10000x128xf32, #tpu.memory_space<vmem_shared>> -> memref<10000x128xf32, #tpu.memory_space<vmem_shared>>
        tpu.wait_indirect_dma semaphore(%arg11 : memref<!tpu.dma_semaphore, #tpu.memory_space<semaphore_mem>>) src(%arg9 : memref<125x128xf32, #tpu.memory_space<vmem>>) dst(%dma_wait3A_74 : memref<10000x128xf32, #tpu.memory_space<vmem_shared>>)
        %scan3A_75 = arith.constant 0 : i32
        scf.yield %scan3A_75 : i32
      }
      %scan3A_35 = arith.constant 40 : i32
      %mul3A_36 = arith.constant 80 : i32
      %mul3A_37 = arith.muli %arg1, %mul3A_36 : i32
      %add3A_38 = arith.constant 40 : i32
      %add3A_39 = arith.addi %mul3A_37, %add3A_38 : i32
      "tpu.region"() ({
        %run_scoped3A = tpu.sem_alloc : memref<!tpu.dma_semaphore, #tpu.memory_space<semaphore_mem>>
        %dma_start3A = arith.constant 0 : i32
        %dma_start3A_51 = tpu.memref_slice %arg4[%add3A_39, %dma_start3A] : memref<1280x125xi32, #tpu.memory_space<hbm>> -> memref<40x125xi32, #tpu.memory_space<hbm>>
        %dma_start3A_52 = arith.constant 0 : i32
        %dma_start3A_53 = tpu.memref_slice %arg4[%add3A_39, %dma_start3A_52] : memref<1280x125xi32, #tpu.memory_space<hbm>> -> memref<40x125xi32, #tpu.memory_space<hbm>>
        tpu.enqueue_dma source(%dma_start3A_53 : memref<40x125xi32, #tpu.memory_space<hbm>>) target(%arg7 : memref<40x125xi32, #tpu.memory_space<vmem>>) target_semaphore(%run_scoped3A : memref<!tpu.dma_semaphore, #tpu.memory_space<semaphore_mem>>)
        %dma_wait3A = arith.constant 0 : i32
        %dma_wait3A_54 = tpu.memref_slice %arg4[%add3A_39, %dma_wait3A] : memref<1280x125xi32, #tpu.memory_space<hbm>> -> memref<40x125xi32, #tpu.memory_space<hbm>>
        %dma_wait3A_55 = arith.constant 0 : i32
        %dma_wait3A_56 = tpu.memref_slice %arg4[%add3A_39, %dma_wait3A_55] : memref<1280x125xi32, #tpu.memory_space<hbm>> -> memref<40x125xi32, #tpu.memory_space<hbm>>
        tpu.wait_dma2 semaphore(%run_scoped3A : memref<!tpu.dma_semaphore, #tpu.memory_space<semaphore_mem>>) src(%dma_wait3A_56 : memref<40x125xi32, #tpu.memory_space<hbm>>) dst(%arg7 : memref<40x125xi32, #tpu.memory_space<vmem>>)
        tpu.yield
      }) : () -> ()
      %mul3A_40 = arith.constant 80 : i32
      %mul3A_41 = arith.muli %arg1, %mul3A_40 : i32
      %add3A_42 = arith.constant 40 : i32
      %add3A_43 = arith.addi %mul3A_41, %add3A_42 : i32
      "tpu.region"() ({
        %run_scoped3A = tpu.sem_alloc : memref<!tpu.dma_semaphore, #tpu.memory_space<semaphore_mem>>
        %dma_start3A = arith.constant 0 : i32
        %dma_start3A_51 = tpu.memref_slice %arg5[%add3A_43, %dma_start3A] : memref<1280x125xi32, #tpu.memory_space<hbm>> -> memref<40x125xi32, #tpu.memory_space<hbm>>
        %dma_start3A_52 = arith.constant 0 : i32
        %dma_start3A_53 = tpu.memref_slice %arg5[%add3A_43, %dma_start3A_52] : memref<1280x125xi32, #tpu.memory_space<hbm>> -> memref<40x125xi32, #tpu.memory_space<hbm>>
        tpu.enqueue_dma source(%dma_start3A_53 : memref<40x125xi32, #tpu.memory_space<hbm>>) target(%arg8 : memref<40x125xi32, #tpu.memory_space<vmem>>) target_semaphore(%run_scoped3A : memref<!tpu.dma_semaphore, #tpu.memory_space<semaphore_mem>>)
        %dma_wait3A = arith.constant 0 : i32
        %dma_wait3A_54 = tpu.memref_slice %arg5[%add3A_43, %dma_wait3A] : memref<1280x125xi32, #tpu.memory_space<hbm>> -> memref<40x125xi32, #tpu.memory_space<hbm>>
        %dma_wait3A_55 = arith.constant 0 : i32
        %dma_wait3A_56 = tpu.memref_slice %arg5[%add3A_43, %dma_wait3A_55] : memref<1280x125xi32, #tpu.memory_space<hbm>> -> memref<40x125xi32, #tpu.memory_space<hbm>>
        tpu.wait_dma2 semaphore(%run_scoped3A : memref<!tpu.dma_semaphore, #tpu.memory_space<semaphore_mem>>) src(%dma_wait3A_56 : memref<40x125xi32, #tpu.memory_space<hbm>>) dst(%arg8 : memref<40x125xi32, #tpu.memory_space<vmem>>)
        tpu.yield
      }) : () -> ()
      %scan3A_44 = arith.constant 0 : i32
      %scan3A_45 = arith.constant 0 : i32
      %scan3A_46 = arith.constant 40 : i32
      %scan3A_47 = arith.addi %scan3A_45, %scan3A_46 : i32
      %scan3A_48 = arith.constant 1 : i32
      %scan3A_49 = scf.for %scan3A_51 = %scan3A_45 to %scan3A_47 step %scan3A_48 iter_args(%scan3A_52 = %scan3A_44) -> (i32)  : i32 {
        %dma_start3A = arith.constant 0 : i32
        %dma_start3A_53 = tpu.memref_slice %arg7[%scan3A_51, %dma_start3A] : memref<40x125xi32, #tpu.memory_space<vmem>> -> memref<1x125xi32, #tpu.memory_space<vmem>>
        %dma_start3A_54 = tpu.memref_squeeze %dma_start3A_53 : memref<1x125xi32, #tpu.memory_space<vmem>> -> memref<125xi32, #tpu.memory_space<vmem>>
        %dma_start3A_55 = arith.constant 0 : i32
        %dma_start3A_56 = arith.constant 0 : i32
        %dma_start3A_57 = tpu.memref_slice %arg2[%dma_start3A_55, %dma_start3A_56] : memref<320000x128xf32, #tpu.memory_space<hbm>> -> memref<320000x128xf32, #tpu.memory_space<hbm>>
        tpu.enqueue_indirect_dma source(%dma_start3A_57 : memref<320000x128xf32, #tpu.memory_space<hbm>>) target(%arg9 : memref<125x128xf32, #tpu.memory_space<vmem>>) offsets(%dma_start3A_54 : memref<125xi32, #tpu.memory_space<vmem>>) semaphore(%arg10 : memref<!tpu.dma_semaphore, #tpu.memory_space<semaphore_mem>>)
        %dma_wait3A = arith.constant 0 : i32
        %dma_wait3A_58 = tpu.memref_slice %arg7[%scan3A_51, %dma_wait3A] : memref<40x125xi32, #tpu.memory_space<vmem>> -> memref<1x125xi32, #tpu.memory_space<vmem>>
        %dma_wait3A_59 = tpu.memref_squeeze %dma_wait3A_58 : memref<1x125xi32, #tpu.memory_space<vmem>> -> memref<125xi32, #tpu.memory_space<vmem>>
        %dma_wait3A_60 = arith.constant 0 : i32
        %dma_wait3A_61 = arith.constant 0 : i32
        %dma_wait3A_62 = tpu.memref_slice %arg2[%dma_wait3A_60, %dma_wait3A_61] : memref<320000x128xf32, #tpu.memory_space<hbm>> -> memref<320000x128xf32, #tpu.memory_space<hbm>>
        tpu.wait_indirect_dma semaphore(%arg10 : memref<!tpu.dma_semaphore, #tpu.memory_space<semaphore_mem>>) src(%dma_wait3A_62 : memref<320000x128xf32, #tpu.memory_space<hbm>>) dst(%arg9 : memref<125x128xf32, #tpu.memory_space<vmem>>)
        %dma_start3A_63 = arith.constant 0 : i32
        %dma_start3A_64 = tpu.memref_slice %arg8[%scan3A_51, %dma_start3A_63] : memref<40x125xi32, #tpu.memory_space<vmem>> -> memref<1x125xi32, #tpu.memory_space<vmem>>
        %dma_start3A_65 = tpu.memref_squeeze %dma_start3A_64 : memref<1x125xi32, #tpu.memory_space<vmem>> -> memref<125xi32, #tpu.memory_space<vmem>>
        %dma_start3A_66 = arith.constant 0 : i32
        %dma_start3A_67 = arith.constant 0 : i32
        %dma_start3A_68 = tpu.memref_slice %arg12[%dma_start3A_66, %dma_start3A_67] : memref<10000x128xf32, #tpu.memory_space<vmem_shared>> -> memref<10000x128xf32, #tpu.memory_space<vmem_shared>>
        tpu.enqueue_indirect_dma source(%arg9 : memref<125x128xf32, #tpu.memory_space<vmem>>) target(%dma_start3A_68 : memref<10000x128xf32, #tpu.memory_space<vmem_shared>>) offsets(%dma_start3A_65 : memref<125xi32, #tpu.memory_space<vmem>>) semaphore(%arg11 : memref<!tpu.dma_semaphore, #tpu.memory_space<semaphore_mem>>) {add = true}
        %dma_wait3A_69 = arith.constant 0 : i32
        %dma_wait3A_70 = tpu.memref_slice %arg8[%scan3A_51, %dma_wait3A_69] : memref<40x125xi32, #tpu.memory_space<vmem>> -> memref<1x125xi32, #tpu.memory_space<vmem>>
        %dma_wait3A_71 = tpu.memref_squeeze %dma_wait3A_70 : memref<1x125xi32, #tpu.memory_space<vmem>> -> memref<125xi32, #tpu.memory_space<vmem>>
        %dma_wait3A_72 = arith.constant 0 : i32
        %dma_wait3A_73 = arith.constant 0 : i32
        %dma_wait3A_74 = tpu.memref_slice %arg12[%dma_wait3A_72, %dma_wait3A_73] : memref<10000x128xf32, #tpu.memory_space<vmem_shared>> -> memref<10000x128xf32, #tpu.memory_space<vmem_shared>>
        tpu.wait_indirect_dma semaphore(%arg11 : memref<!tpu.dma_semaphore, #tpu.memory_space<semaphore_mem>>) src(%arg9 : memref<125x128xf32, #tpu.memory_space<vmem>>) dst(%dma_wait3A_74 : memref<10000x128xf32, #tpu.memory_space<vmem_shared>>)
        %scan3A_75 = arith.constant 0 : i32
        scf.yield %scan3A_75 : i32
      }
      %scan3A_50 = arith.constant 40 : i32
    } else {
    }
    %barrier3A_17 = arith.constant 0 : index
    tpu.barrier barrier_id(%barrier3A_17)
    %lt3A_18 = arith.constant 10 : i32
    %lt3A_19 = arith.cmpi slt, %arg1, %lt3A_18 : i32
    %convert_element_type3A_20 = arith.extui %lt3A_19 : i1 to i32
    %cond3A_21 = arith.constant 0 : i32
    %cond3A_22 = arith.cmpi ne, %convert_element_type3A_20, %cond3A_21 : i32
    scf.if %cond3A_22 {
      %mul3A = arith.constant 1000 : i32
      %mul3A_23 = arith.muli %arg1, %mul3A : i32
      %mul3A_24 = arith.constant 1000 : i32
      %mul3A_25 = arith.muli %arg1, %mul3A_24 : i32
      "tpu.region"() ({
        %run_scoped3A = tpu.sem_alloc : memref<!tpu.dma_semaphore, #tpu.memory_space<semaphore_mem>>
        %dma_start3A = arith.constant 0 : i32
        %dma_start3A_26 = tpu.memref_slice %arg6[%arg0, %mul3A_25, %dma_start3A] : memref<2x10000x128xf32, #tpu.memory_space<hbm>> -> memref<1x1000x128xf32, #tpu.memory_space<hbm>>
        %dma_start3A_27 = tpu.memref_squeeze %dma_start3A_26 : memref<1x1000x128xf32, #tpu.memory_space<hbm>> -> memref<1000x128xf32, #tpu.memory_space<hbm>>
        %dma_start3A_28 = arith.constant 0 : i32
        %dma_start3A_29 = tpu.memref_slice %arg12[%mul3A_23, %dma_start3A_28] : memref<10000x128xf32, #tpu.memory_space<vmem_shared>> -> memref<1000x128xf32, #tpu.memory_space<vmem_shared>>
        tpu.enqueue_dma source(%dma_start3A_29 : memref<1000x128xf32, #tpu.memory_space<vmem_shared>>) target(%dma_start3A_27 : memref<1000x128xf32, #tpu.memory_space<hbm>>) target_semaphore(%run_scoped3A : memref<!tpu.dma_semaphore, #tpu.memory_space<semaphore_mem>>)
        %dma_wait3A = arith.constant 0 : i32
        %dma_wait3A_30 = tpu.memref_slice %arg6[%arg0, %mul3A_25, %dma_wait3A] : memref<2x10000x128xf32, #tpu.memory_space<hbm>> -> memref<1x1000x128xf32, #tpu.memory_space<hbm>>
        %dma_wait3A_31 = tpu.memref_squeeze %dma_wait3A_30 : memref<1x1000x128xf32, #tpu.memory_space<hbm>> -> memref<1000x128xf32, #tpu.memory_space<hbm>>
        %dma_wait3A_32 = arith.constant 0 : i32
        %dma_wait3A_33 = tpu.memref_slice %arg12[%mul3A_23, %dma_wait3A_32] : memref<10000x128xf32, #tpu.memory_space<vmem_shared>> -> memref<1000x128xf32, #tpu.memory_space<vmem_shared>>
        tpu.wait_dma2 semaphore(%run_scoped3A : memref<!tpu.dma_semaphore, #tpu.memory_space<semaphore_mem>>) src(%dma_wait3A_33 : memref<1000x128xf32, #tpu.memory_space<vmem_shared>>) dst(%dma_wait3A_31 : memref<1000x128xf32, #tpu.memory_space<hbm>>)
        tpu.yield
      }) : () -> ()
    } else {
    }
    return
  }
}

#map = affine_map<(d0, d1) -> (0, 0)>
#map1 = affine_map<(d0, d1) -> (0, 0, 0)>
module attributes {stable_mosaic.version = 14 : i64} {
  func.func @msg_kernel(%arg0: i32, %arg1: i32, %arg2: memref<320000x128xf32, #tpu.memory_space<hbm>>, %arg3: memref<1280x125xi32, #tpu.memory_space<hbm>>, %arg4: memref<1280x125xi32, #tpu.memory_space<hbm>>, %arg5: memref<1280x125xi32, #tpu.memory_space<hbm>>, %arg6: memref<2x10000x128xf32, #tpu.memory_space<hbm>>, %arg7: memref<40x125xi32, #tpu.memory_space<vmem>>, %arg8: memref<40x125xi32, #tpu.memory_space<vmem>>, %arg9: memref<125x128xf32, #tpu.memory_space<vmem>>, %arg10: memref<!tpu.dma_semaphore, #tpu.memory_space<semaphore_mem>>, %arg11: memref<!tpu.dma_semaphore, #tpu.memory_space<semaphore_mem>>, %arg12: memref<10000x128xf32, #tpu.memory_space<vmem_shared>>) attributes {dimension_semantics = [#tpu.dimension_semantics<core_parallel>, #tpu.dimension_semantics<subcore_parallel>], iteration_bounds = array<i64: 2, 16>, scalar_prefetch = 0 : i64, scratch_operands = 6 : i64, tpu.core_type = #tpu.core_type<sc_vector_subcore>, window_params = [{transform_indices = #map}, {transform_indices = #map}, {transform_indices = #map}, {transform_indices = #map}, {transform_indices = #map1}]} {
    %scan3A = arith.constant 0 : i32
    %scan3A_0 = arith.constant 0 : i32
    %scan3A_1 = arith.constant 1000 : i32
    %scan3A_2 = arith.addi %scan3A_0, %scan3A_1 : i32
    %scan3A_3 = arith.constant 1 : i32
    %scan3A_4 = scf.for %scan3A_23 = %scan3A_0 to %scan3A_2 step %scan3A_3 iter_args(%scan3A_24 = %scan3A) -> (i32)  : i32 {
      %broadcast_in_dim3A = arith.constant 0.000000e+00 : f32
      %broadcast_in_dim3A_25 = vector.broadcast %broadcast_in_dim3A : f32 to vector<16xf32>
      %jit3A = arith.constant 8 : i32
      %div3A = arith.divsi %scan3A_23, %jit3A : i32
      %sign3A = arith.constant 0 : i32
      %sign3A_26 = arith.cmpi sgt, %scan3A_23, %sign3A : i32
      %sign3A_27 = arith.extui %sign3A_26 : i1 to i32
      %sign3A_28 = arith.constant 0 : i32
      %sign3A_29 = arith.cmpi slt, %scan3A_23, %sign3A_28 : i32
      %sign3A_30 = arith.extui %sign3A_29 : i1 to i32
      %sign3A_31 = arith.subi %sign3A_27, %sign3A_30 : i32
      %sign3A_32 = arith.constant 0 : i32
      %sign3A_33 = arith.cmpi sgt, %jit3A, %sign3A_32 : i32
      %sign3A_34 = arith.extui %sign3A_33 : i1 to i32
      %sign3A_35 = arith.constant 0 : i32
      %sign3A_36 = arith.cmpi slt, %jit3A, %sign3A_35 : i32
      %sign3A_37 = arith.extui %sign3A_36 : i1 to i32
      %sign3A_38 = arith.subi %sign3A_34, %sign3A_37 : i32
      %ne3A = arith.cmpi ne, %sign3A_31, %sign3A_38 : i32
      %rem3A = arith.remsi %scan3A_23, %jit3A : i32
      %ne3A_39 = arith.constant 0 : i32
      %ne3A_40 = arith.cmpi ne, %rem3A, %ne3A_39 : i32
      %and3A = arith.andi %ne3A, %ne3A_40 : i1
      %sub3A = arith.constant 1 : i32
      %sub3A_41 = arith.subi %div3A, %sub3A : i32
      %select_n3A = arith.select %and3A, %sub3A_41, %div3A : i32
      %jit3A_42 = arith.constant 8 : i32
      %eq3A_43 = arith.constant 0 : i32
      %eq3A_44 = arith.cmpi eq, %jit3A_42, %eq3A_43 : i32
      %jit3A_45 = arith.constant 1 : i32
      %select_n3A_46 = arith.select %eq3A_44, %jit3A_45, %jit3A_42 : i32
      %rem3A_47 = arith.remsi %scan3A_23, %select_n3A_46 : i32
      %ne3A_48 = arith.constant 0 : i32
      %ne3A_49 = arith.cmpi ne, %rem3A_47, %ne3A_48 : i32
      %lt3A_50 = arith.constant 0 : i32
      %lt3A_51 = arith.cmpi slt, %rem3A_47, %lt3A_50 : i32
      %lt3A_52 = arith.constant 0 : i32
      %lt3A_53 = arith.cmpi slt, %select_n3A_46, %lt3A_52 : i32
      %ne3A_54 = arith.xori %lt3A_51, %lt3A_53 : i1
      %and3A_55 = arith.andi %ne3A_54, %ne3A_49 : i1
      %add3A = arith.addi %rem3A_47, %select_n3A_46 : i32
      %select_n3A_56 = arith.select %and3A_55, %add3A, %rem3A_47 : i32
      %mul3A = arith.constant 16 : i32
      %mul3A_57 = arith.muli %select_n3A_56, %mul3A : i32
      %swap3A = arith.index_cast %select_n3A : i32 to index
      %swap3A_58 = arith.index_cast %mul3A_57 : i32 to index
      %swap3A_59 = tpu.vector_load %arg9[%swap3A, %swap3A_58] {strides = array<i32>} : memref<125x128xf32, #tpu.memory_space<vmem>>, vector<1x16xf32>,
      %swap3A_60 = vector.shape_cast %swap3A_59 : vector<1x16xf32> to vector<16xf32>
      %swap3A_61 = vector.shape_cast %broadcast_in_dim3A_25 : vector<16xf32> to vector<1x16xf32>
      tpu.vector_store %arg9[%swap3A, %swap3A_58], %swap3A_61 {strides = array<i32>} : memref<125x128xf32, #tpu.memory_space<vmem>>, vector<1x16xf32>,
      %scan3A_62 = arith.constant 0 : i32
      scf.yield %scan3A_62 : i32
    }
    %scan3A_5 = arith.constant 1000 : i32
    %lt3A = arith.constant 10 : i32
    %lt3A_6 = arith.cmpi slt, %arg1, %lt3A : i32
    %convert_element_type3A = arith.extui %lt3A_6 : i1 to i32
    %cond3A = arith.constant 0 : i32
    %cond3A_7 = arith.cmpi ne, %convert_element_type3A, %cond3A : i32
    scf.if %cond3A_7 {
      %scan3A_23 = arith.constant 0 : i32
      %scan3A_24 = arith.constant 0 : i32
      %scan3A_25 = arith.constant 25 : i32
      %scan3A_26 = arith.addi %scan3A_24, %scan3A_25 : i32
      %scan3A_27 = arith.constant 1 : i32
      %scan3A_28 = scf.for %scan3A_30 = %scan3A_24 to %scan3A_26 step %scan3A_27 iter_args(%scan3A_31 = %scan3A_23) -> (i32)  : i32 {
        %mul3A = arith.constant 1000 : i32
        %mul3A_32 = arith.muli %arg1, %mul3A : i32
        %mul3A_33 = arith.constant 40 : i32
        %mul3A_34 = arith.muli %scan3A_30, %mul3A_33 : i32
        %add3A = arith.addi %mul3A_32, %mul3A_34 : i32
        "tpu.region"() ({
          %run_scoped3A = tpu.sem_alloc : memref<!tpu.dma_semaphore, #tpu.memory_space<semaphore_mem>>
          %dma_start3A = arith.constant 0 : i32
          %dma_start3A_36 = arith.constant 0 : i32
          %dma_start3A_37 = tpu.memref_slice %arg9[%dma_start3A, %dma_start3A_36] : memref<125x128xf32, #tpu.memory_space<vmem>> -> memref<40x128xf32, #tpu.memory_space<vmem>>
          %dma_start3A_38 = arith.constant 0 : i32
          %dma_start3A_39 = tpu.memref_slice %arg12[%add3A, %dma_start3A_38] : memref<10000x128xf32, #tpu.memory_space<vmem_shared>> -> memref<40x128xf32, #tpu.memory_space<vmem_shared>>
          %dma_start3A_40 = arith.constant 0 : i32
          %dma_start3A_41 = tpu.memref_slice %arg12[%add3A, %dma_start3A_40] : memref<10000x128xf32, #tpu.memory_space<vmem_shared>> -> memref<40x128xf32, #tpu.memory_space<vmem_shared>>
          %dma_start3A_42 = arith.constant 0 : i32
          %dma_start3A_43 = arith.constant 0 : i32
          %dma_start3A_44 = tpu.memref_slice %arg9[%dma_start3A_42, %dma_start3A_43] : memref<125x128xf32, #tpu.memory_space<vmem>> -> memref<40x128xf32, #tpu.memory_space<vmem>>
          tpu.enqueue_dma source(%dma_start3A_44 : memref<40x128xf32, #tpu.memory_space<vmem>>) target(%dma_start3A_41 : memref<40x128xf32, #tpu.memory_space<vmem_shared>>) target_semaphore(%run_scoped3A : memref<!tpu.dma_semaphore, #tpu.memory_space<semaphore_mem>>)
          %dma_wait3A = arith.constant 0 : i32
          %dma_wait3A_45 = arith.constant 0 : i32
          %dma_wait3A_46 = tpu.memref_slice %arg9[%dma_wait3A, %dma_wait3A_45] : memref<125x128xf32, #tpu.memory_space<vmem>> -> memref<40x128xf32, #tpu.memory_space<vmem>>
          %dma_wait3A_47 = arith.constant 0 : i32
          %dma_wait3A_48 = tpu.memref_slice %arg12[%add3A, %dma_wait3A_47] : memref<10000x128xf32, #tpu.memory_space<vmem_shared>> -> memref<40x128xf32, #tpu.memory_space<vmem_shared>>
          %dma_wait3A_49 = arith.constant 0 : i32
          %dma_wait3A_50 = tpu.memref_slice %arg12[%add3A, %dma_wait3A_49] : memref<10000x128xf32, #tpu.memory_space<vmem_shared>> -> memref<40x128xf32, #tpu.memory_space<vmem_shared>>
          %dma_wait3A_51 = arith.constant 0 : i32
          %dma_wait3A_52 = arith.constant 0 : i32
          %dma_wait3A_53 = tpu.memref_slice %arg9[%dma_wait3A_51, %dma_wait3A_52] : memref<125x128xf32, #tpu.memory_space<vmem>> -> memref<40x128xf32, #tpu.memory_space<vmem>>
          tpu.wait_dma2 semaphore(%run_scoped3A : memref<!tpu.dma_semaphore, #tpu.memory_space<semaphore_mem>>) src(%dma_wait3A_53 : memref<40x128xf32, #tpu.memory_space<vmem>>) dst(%dma_wait3A_50 : memref<40x128xf32, #tpu.memory_space<vmem_shared>>)
          tpu.yield
        }) : () -> ()
        %scan3A_35 = arith.constant 0 : i32
        scf.yield %scan3A_35 : i32
      }
      %scan3A_29 = arith.constant 25 : i32
    } else {
    }
    %barrier3A = arith.constant 0 : index
    tpu.barrier barrier_id(%barrier3A)
    %eq3A = arith.constant 0 : i32
    %eq3A_8 = arith.cmpi eq, %arg0, %eq3A : i32
    %convert_element_type3A_9 = arith.extui %eq3A_8 : i1 to i32
    %cond3A_10 = arith.constant 0 : i32
    %cond3A_11 = arith.cmpi ne, %convert_element_type3A_9, %cond3A_10 : i32
    scf.if %cond3A_11 {
      %mul3A = arith.constant 80 : i32
      %mul3A_23 = arith.muli %arg1, %mul3A : i32
      %add3A = arith.constant 0 : i32
      %add3A_24 = arith.addi %mul3A_23, %add3A : i32
      "tpu.region"() ({
        %run_scoped3A = tpu.sem_alloc : memref<!tpu.dma_semaphore, #tpu.memory_space<semaphore_mem>>
        %dma_start3A = arith.constant 0 : i32
        %dma_start3A_51 = tpu.memref_slice %arg3[%add3A_24, %dma_start3A] : memref<1280x125xi32, #tpu.memory_space<hbm>> -> memref<40x125xi32, #tpu.memory_space<hbm>>
        %dma_start3A_52 = arith.constant 0 : i32
        %dma_start3A_53 = tpu.memref_slice %arg3[%add3A_24, %dma_start3A_52] : memref<1280x125xi32, #tpu.memory_space<hbm>> -> memref<40x125xi32, #tpu.memory_space<hbm>>
        tpu.enqueue_dma source(%dma_start3A_53 : memref<40x125xi32, #tpu.memory_space<hbm>>) target(%arg7 : memref<40x125xi32, #tpu.memory_space<vmem>>) target_semaphore(%run_scoped3A : memref<!tpu.dma_semaphore, #tpu.memory_space<semaphore_mem>>)
        %dma_wait3A = arith.constant 0 : i32
        %dma_wait3A_54 = tpu.memref_slice %arg3[%add3A_24, %dma_wait3A] : memref<1280x125xi32, #tpu.memory_space<hbm>> -> memref<40x125xi32, #tpu.memory_space<hbm>>
        %dma_wait3A_55 = arith.constant 0 : i32
        %dma_wait3A_56 = tpu.memref_slice %arg3[%add3A_24, %dma_wait3A_55] : memref<1280x125xi32, #tpu.memory_space<hbm>> -> memref<40x125xi32, #tpu.memory_space<hbm>>
        tpu.wait_dma2 semaphore(%run_scoped3A : memref<!tpu.dma_semaphore, #tpu.memory_space<semaphore_mem>>) src(%dma_wait3A_56 : memref<40x125xi32, #tpu.memory_space<hbm>>) dst(%arg7 : memref<40x125xi32, #tpu.memory_space<vmem>>)
        tpu.yield
      }) : () -> ()
      %mul3A_25 = arith.constant 80 : i32
      %mul3A_26 = arith.muli %arg1, %mul3A_25 : i32
      %add3A_27 = arith.constant 0 : i32
      %add3A_28 = arith.addi %mul3A_26, %add3A_27 : i32
      "tpu.region"() ({
        %run_scoped3A = tpu.sem_alloc : memref<!tpu.dma_semaphore, #tpu.memory_space<semaphore_mem>>
        %dma_start3A = arith.constant 0 : i32
        %dma_start3A_51 = tpu.memref_slice %arg5[%add3A_28, %dma_start3A] : memref<1280x125xi32, #tpu.memory_space<hbm>> -> memref<40x125xi32, #tpu.memory_space<hbm>>
        %dma_start3A_52 = arith.constant 0 : i32
        %dma_start3A_53 = tpu.memref_slice %arg5[%add3A_28, %dma_start3A_52] : memref<1280x125xi32, #tpu.memory_space<hbm>> -> memref<40x125xi32, #tpu.memory_space<hbm>>
        tpu.enqueue_dma source(%dma_start3A_53 : memref<40x125xi32, #tpu.memory_space<hbm>>) target(%arg8 : memref<40x125xi32, #tpu.memory_space<vmem>>) target_semaphore(%run_scoped3A : memref<!tpu.dma_semaphore, #tpu.memory_space<semaphore_mem>>)
        %dma_wait3A = arith.constant 0 : i32
        %dma_wait3A_54 = tpu.memref_slice %arg5[%add3A_28, %dma_wait3A] : memref<1280x125xi32, #tpu.memory_space<hbm>> -> memref<40x125xi32, #tpu.memory_space<hbm>>
        %dma_wait3A_55 = arith.constant 0 : i32
        %dma_wait3A_56 = tpu.memref_slice %arg5[%add3A_28, %dma_wait3A_55] : memref<1280x125xi32, #tpu.memory_space<hbm>> -> memref<40x125xi32, #tpu.memory_space<hbm>>
        tpu.wait_dma2 semaphore(%run_scoped3A : memref<!tpu.dma_semaphore, #tpu.memory_space<semaphore_mem>>) src(%dma_wait3A_56 : memref<40x125xi32, #tpu.memory_space<hbm>>) dst(%arg8 : memref<40x125xi32, #tpu.memory_space<vmem>>)
        tpu.yield
      }) : () -> ()
      %scan3A_29 = arith.constant 0 : i32
      %scan3A_30 = arith.constant 0 : i32
      %scan3A_31 = arith.constant 40 : i32
      %scan3A_32 = arith.addi %scan3A_30, %scan3A_31 : i32
      %scan3A_33 = arith.constant 1 : i32
      %scan3A_34 = scf.for %scan3A_51 = %scan3A_30 to %scan3A_32 step %scan3A_33 iter_args(%scan3A_52 = %scan3A_29) -> (i32)  : i32 {
        %dma_start3A = arith.constant 0 : i32
        %dma_start3A_53 = tpu.memref_slice %arg7[%scan3A_51, %dma_start3A] : memref<40x125xi32, #tpu.memory_space<vmem>> -> memref<1x125xi32, #tpu.memory_space<vmem>>
        %dma_start3A_54 = tpu.memref_squeeze %dma_start3A_53 : memref<1x125xi32, #tpu.memory_space<vmem>> -> memref<125xi32, #tpu.memory_space<vmem>>
        %dma_start3A_55 = arith.constant 0 : i32
        %dma_start3A_56 = arith.constant 0 : i32
        %dma_start3A_57 = tpu.memref_slice %arg2[%dma_start3A_55, %dma_start3A_56] : memref<320000x128xf32, #tpu.memory_space<hbm>> -> memref<320000x128xf32, #tpu.memory_space<hbm>>
        tpu.enqueue_indirect_dma source(%dma_start3A_57 : memref<320000x128xf32, #tpu.memory_space<hbm>>) target(%arg9 : memref<125x128xf32, #tpu.memory_space<vmem>>) offsets(%dma_start3A_54 : memref<125xi32, #tpu.memory_space<vmem>>) semaphore(%arg10 : memref<!tpu.dma_semaphore, #tpu.memory_space<semaphore_mem>>)
        %dma_wait3A = arith.constant 0 : i32
        %dma_wait3A_58 = tpu.memref_slice %arg7[%scan3A_51, %dma_wait3A] : memref<40x125xi32, #tpu.memory_space<vmem>> -> memref<1x125xi32, #tpu.memory_space<vmem>>
        %dma_wait3A_59 = tpu.memref_squeeze %dma_wait3A_58 : memref<1x125xi32, #tpu.memory_space<vmem>> -> memref<125xi32, #tpu.memory_space<vmem>>
        %dma_wait3A_60 = arith.constant 0 : i32
        %dma_wait3A_61 = arith.constant 0 : i32
        %dma_wait3A_62 = tpu.memref_slice %arg2[%dma_wait3A_60, %dma_wait3A_61] : memref<320000x128xf32, #tpu.memory_space<hbm>> -> memref<320000x128xf32, #tpu.memory_space<hbm>>
        tpu.wait_indirect_dma semaphore(%arg10 : memref<!tpu.dma_semaphore, #tpu.memory_space<semaphore_mem>>) src(%dma_wait3A_62 : memref<320000x128xf32, #tpu.memory_space<hbm>>) dst(%arg9 : memref<125x128xf32, #tpu.memory_space<vmem>>)
        %dma_start3A_63 = arith.constant 0 : i32
        %dma_start3A_64 = tpu.memref_slice %arg8[%scan3A_51, %dma_start3A_63] : memref<40x125xi32, #tpu.memory_space<vmem>> -> memref<1x125xi32, #tpu.memory_space<vmem>>
        %dma_start3A_65 = tpu.memref_squeeze %dma_start3A_64 : memref<1x125xi32, #tpu.memory_space<vmem>> -> memref<125xi32, #tpu.memory_space<vmem>>
        %dma_start3A_66 = arith.constant 0 : i32
        %dma_start3A_67 = arith.constant 0 : i32
        %dma_start3A_68 = tpu.memref_slice %arg12[%dma_start3A_66, %dma_start3A_67] : memref<10000x128xf32, #tpu.memory_space<vmem_shared>> -> memref<10000x128xf32, #tpu.memory_space<vmem_shared>>
        tpu.enqueue_indirect_dma source(%arg9 : memref<125x128xf32, #tpu.memory_space<vmem>>) target(%dma_start3A_68 : memref<10000x128xf32, #tpu.memory_space<vmem_shared>>) offsets(%dma_start3A_65 : memref<125xi32, #tpu.memory_space<vmem>>) semaphore(%arg11 : memref<!tpu.dma_semaphore, #tpu.memory_space<semaphore_mem>>) {add = true}
        %dma_wait3A_69 = arith.constant 0 : i32
        %dma_wait3A_70 = tpu.memref_slice %arg8[%scan3A_51, %dma_wait3A_69] : memref<40x125xi32, #tpu.memory_space<vmem>> -> memref<1x125xi32, #tpu.memory_space<vmem>>
        %dma_wait3A_71 = tpu.memref_squeeze %dma_wait3A_70 : memref<1x125xi32, #tpu.memory_space<vmem>> -> memref<125xi32, #tpu.memory_space<vmem>>
        %dma_wait3A_72 = arith.constant 0 : i32
        %dma_wait3A_73 = arith.constant 0 : i32
        %dma_wait3A_74 = tpu.memref_slice %arg12[%dma_wait3A_72, %dma_wait3A_73] : memref<10000x128xf32, #tpu.memory_space<vmem_shared>> -> memref<10000x128xf32, #tpu.memory_space<vmem_shared>>
        tpu.wait_indirect_dma semaphore(%arg11 : memref<!tpu.dma_semaphore, #tpu.memory_space<semaphore_mem>>) src(%arg9 : memref<125x128xf32, #tpu.memory_space<vmem>>) dst(%dma_wait3A_74 : memref<10000x128xf32, #tpu.memory_space<vmem_shared>>)
        %scan3A_75 = arith.constant 0 : i32
        scf.yield %scan3A_75 : i32
      }
      %scan3A_35 = arith.constant 40 : i32
      %mul3A_36 = arith.constant 80 : i32
      %mul3A_37 = arith.muli %arg1, %mul3A_36 : i32
      %add3A_38 = arith.constant 40 : i32
      %add3A_39 = arith.addi %mul3A_37, %add3A_38 : i32
      "tpu.region"() ({
        %run_scoped3A = tpu.sem_alloc : memref<!tpu.dma_semaphore, #tpu.memory_space<semaphore_mem>>
        %dma_start3A = arith.constant 0 : i32
        %dma_start3A_51 = tpu.memref_slice %arg3[%add3A_39, %dma_start3A] : memref<1280x125xi32, #tpu.memory_space<hbm>> -> memref<40x125xi32, #tpu.memory_space<hbm>>
        %dma_start3A_52 = arith.constant 0 : i32
        %dma_start3A_53 = tpu.memref_slice %arg3[%add3A_39, %dma_start3A_52] : memref<1280x125xi32, #tpu.memory_space<hbm>> -> memref<40x125xi32, #tpu.memory_space<hbm>>
        tpu.enqueue_dma source(%dma_start3A_53 : memref<40x125xi32, #tpu.memory_space<hbm>>) target(%arg7 : memref<40x125xi32, #tpu.memory_space<vmem>>) target_semaphore(%run_scoped3A : memref<!tpu.dma_semaphore, #tpu.memory_space<semaphore_mem>>)
        %dma_wait3A = arith.constant 0 : i32
        %dma_wait3A_54 = tpu.memref_slice %arg3[%add3A_39, %dma_wait3A] : memref<1280x125xi32, #tpu.memory_space<hbm>> -> memref<40x125xi32, #tpu.memory_space<hbm>>
        %dma_wait3A_55 = arith.constant 0 : i32
        %dma_wait3A_56 = tpu.memref_slice %arg3[%add3A_39, %dma_wait3A_55] : memref<1280x125xi32, #tpu.memory_space<hbm>> -> memref<40x125xi32, #tpu.memory_space<hbm>>
        tpu.wait_dma2 semaphore(%run_scoped3A : memref<!tpu.dma_semaphore, #tpu.memory_space<semaphore_mem>>) src(%dma_wait3A_56 : memref<40x125xi32, #tpu.memory_space<hbm>>) dst(%arg7 : memref<40x125xi32, #tpu.memory_space<vmem>>)
        tpu.yield
      }) : () -> ()
      %mul3A_40 = arith.constant 80 : i32
      %mul3A_41 = arith.muli %arg1, %mul3A_40 : i32
      %add3A_42 = arith.constant 40 : i32
      %add3A_43 = arith.addi %mul3A_41, %add3A_42 : i32
      "tpu.region"() ({
        %run_scoped3A = tpu.sem_alloc : memref<!tpu.dma_semaphore, #tpu.memory_space<semaphore_mem>>
        %dma_start3A = arith.constant 0 : i32
        %dma_start3A_51 = tpu.memref_slice %arg5[%add3A_43, %dma_start3A] : memref<1280x125xi32, #tpu.memory_space<hbm>> -> memref<40x125xi32, #tpu.memory_space<hbm>>
        %dma_start3A_52 = arith.constant 0 : i32
        %dma_start3A_53 = tpu.memref_slice %arg5[%add3A_43, %dma_start3A_52] : memref<1280x125xi32, #tpu.memory_space<hbm>> -> memref<40x125xi32, #tpu.memory_space<hbm>>
        tpu.enqueue_dma source(%dma_start3A_53 : memref<40x125xi32, #tpu.memory_space<hbm>>) target(%arg8 : memref<40x125xi32, #tpu.memory_space<vmem>>) target_semaphore(%run_scoped3A : memref<!tpu.dma_semaphore, #tpu.memory_space<semaphore_mem>>)
        %dma_wait3A = arith.constant 0 : i32
        %dma_wait3A_54 = tpu.memref_slice %arg5[%add3A_43, %dma_wait3A] : memref<1280x125xi32, #tpu.memory_space<hbm>> -> memref<40x125xi32, #tpu.memory_space<hbm>>
        %dma_wait3A_55 = arith.constant 0 : i32
        %dma_wait3A_56 = tpu.memref_slice %arg5[%add3A_43, %dma_wait3A_55] : memref<1280x125xi32, #tpu.memory_space<hbm>> -> memref<40x125xi32, #tpu.memory_space<hbm>>
        tpu.wait_dma2 semaphore(%run_scoped3A : memref<!tpu.dma_semaphore, #tpu.memory_space<semaphore_mem>>) src(%dma_wait3A_56 : memref<40x125xi32, #tpu.memory_space<hbm>>) dst(%arg8 : memref<40x125xi32, #tpu.memory_space<vmem>>)
        tpu.yield
      }) : () -> ()
      %scan3A_44 = arith.constant 0 : i32
      %scan3A_45 = arith.constant 0 : i32
      %scan3A_46 = arith.constant 40 : i32
      %scan3A_47 = arith.addi %scan3A_45, %scan3A_46 : i32
      %scan3A_48 = arith.constant 1 : i32
      %scan3A_49 = scf.for %scan3A_51 = %scan3A_45 to %scan3A_47 step %scan3A_48 iter_args(%scan3A_52 = %scan3A_44) -> (i32)  : i32 {
        %dma_start3A = arith.constant 0 : i32
        %dma_start3A_53 = tpu.memref_slice %arg7[%scan3A_51, %dma_start3A] : memref<40x125xi32, #tpu.memory_space<vmem>> -> memref<1x125xi32, #tpu.memory_space<vmem>>
        %dma_start3A_54 = tpu.memref_squeeze %dma_start3A_53 : memref<1x125xi32, #tpu.memory_space<vmem>> -> memref<125xi32, #tpu.memory_space<vmem>>
        %dma_start3A_55 = arith.constant 0 : i32
        %dma_start3A_56 = arith.constant 0 : i32
        %dma_start3A_57 = tpu.memref_slice %arg2[%dma_start3A_55, %dma_start3A_56] : memref<320000x128xf32, #tpu.memory_space<hbm>> -> memref<320000x128xf32, #tpu.memory_space<hbm>>
        tpu.enqueue_indirect_dma source(%dma_start3A_57 : memref<320000x128xf32, #tpu.memory_space<hbm>>) target(%arg9 : memref<125x128xf32, #tpu.memory_space<vmem>>) offsets(%dma_start3A_54 : memref<125xi32, #tpu.memory_space<vmem>>) semaphore(%arg10 : memref<!tpu.dma_semaphore, #tpu.memory_space<semaphore_mem>>)
        %dma_wait3A = arith.constant 0 : i32
        %dma_wait3A_58 = tpu.memref_slice %arg7[%scan3A_51, %dma_wait3A] : memref<40x125xi32, #tpu.memory_space<vmem>> -> memref<1x125xi32, #tpu.memory_space<vmem>>
        %dma_wait3A_59 = tpu.memref_squeeze %dma_wait3A_58 : memref<1x125xi32, #tpu.memory_space<vmem>> -> memref<125xi32, #tpu.memory_space<vmem>>
        %dma_wait3A_60 = arith.constant 0 : i32
        %dma_wait3A_61 = arith.constant 0 : i32
        %dma_wait3A_62 = tpu.memref_slice %arg2[%dma_wait3A_60, %dma_wait3A_61] : memref<320000x128xf32, #tpu.memory_space<hbm>> -> memref<320000x128xf32, #tpu.memory_space<hbm>>
        tpu.wait_indirect_dma semaphore(%arg10 : memref<!tpu.dma_semaphore, #tpu.memory_space<semaphore_mem>>) src(%dma_wait3A_62 : memref<320000x128xf32, #tpu.memory_space<hbm>>) dst(%arg9 : memref<125x128xf32, #tpu.memory_space<vmem>>)
        %dma_start3A_63 = arith.constant 0 : i32
        %dma_start3A_64 = tpu.memref_slice %arg8[%scan3A_51, %dma_start3A_63] : memref<40x125xi32, #tpu.memory_space<vmem>> -> memref<1x125xi32, #tpu.memory_space<vmem>>
        %dma_start3A_65 = tpu.memref_squeeze %dma_start3A_64 : memref<1x125xi32, #tpu.memory_space<vmem>> -> memref<125xi32, #tpu.memory_space<vmem>>
        %dma_start3A_66 = arith.constant 0 : i32
        %dma_start3A_67 = arith.constant 0 : i32
        %dma_start3A_68 = tpu.memref_slice %arg12[%dma_start3A_66, %dma_start3A_67] : memref<10000x128xf32, #tpu.memory_space<vmem_shared>> -> memref<10000x128xf32, #tpu.memory_space<vmem_shared>>
        tpu.enqueue_indirect_dma source(%arg9 : memref<125x128xf32, #tpu.memory_space<vmem>>) target(%dma_start3A_68 : memref<10000x128xf32, #tpu.memory_space<vmem_shared>>) offsets(%dma_start3A_65 : memref<125xi32, #tpu.memory_space<vmem>>) semaphore(%arg11 : memref<!tpu.dma_semaphore, #tpu.memory_space<semaphore_mem>>) {add = true}
        %dma_wait3A_69 = arith.constant 0 : i32
        %dma_wait3A_70 = tpu.memref_slice %arg8[%scan3A_51, %dma_wait3A_69] : memref<40x125xi32, #tpu.memory_space<vmem>> -> memref<1x125xi32, #tpu.memory_space<vmem>>
        %dma_wait3A_71 = tpu.memref_squeeze %dma_wait3A_70 : memref<1x125xi32, #tpu.memory_space<vmem>> -> memref<125xi32, #tpu.memory_space<vmem>>
        %dma_wait3A_72 = arith.constant 0 : i32
        %dma_wait3A_73 = arith.constant 0 : i32
        %dma_wait3A_74 = tpu.memref_slice %arg12[%dma_wait3A_72, %dma_wait3A_73] : memref<10000x128xf32, #tpu.memory_space<vmem_shared>> -> memref<10000x128xf32, #tpu.memory_space<vmem_shared>>
        tpu.wait_indirect_dma semaphore(%arg11 : memref<!tpu.dma_semaphore, #tpu.memory_space<semaphore_mem>>) src(%arg9 : memref<125x128xf32, #tpu.memory_space<vmem>>) dst(%dma_wait3A_74 : memref<10000x128xf32, #tpu.memory_space<vmem_shared>>)
        %scan3A_75 = arith.constant 0 : i32
        scf.yield %scan3A_75 : i32
      }
      %scan3A_50 = arith.constant 40 : i32
    } else {
    }
    %eq3A_12 = arith.constant 1 : i32
    %eq3A_13 = arith.cmpi eq, %arg0, %eq3A_12 : i32
    %convert_element_type3A_14 = arith.extui %eq3A_13 : i1 to i32
    %cond3A_15 = arith.constant 0 : i32
    %cond3A_16 = arith.cmpi ne, %convert_element_type3A_14, %cond3A_15 : i32
    scf.if %cond3A_16 {
      %mul3A = arith.constant 80 : i32
      %mul3A_23 = arith.muli %arg1, %mul3A : i32
      %add3A = arith.constant 0 : i32
      %add3A_24 = arith.addi %mul3A_23, %add3A : i32
      "tpu.region"() ({
        %run_scoped3A = tpu.sem_alloc : memref<!tpu.dma_semaphore, #tpu.memory_space<semaphore_mem>>
        %dma_start3A = arith.constant 0 : i32
        %dma_start3A_51 = tpu.memref_slice %arg4[%add3A_24, %dma_start3A] : memref<1280x125xi32, #tpu.memory_space<hbm>> -> memref<40x125xi32, #tpu.memory_space<hbm>>
        %dma_start3A_52 = arith.constant 0 : i32
        %dma_start3A_53 = tpu.memref_slice %arg4[%add3A_24, %dma_start3A_52] : memref<1280x125xi32, #tpu.memory_space<hbm>> -> memref<40x125xi32, #tpu.memory_space<hbm>>
        tpu.enqueue_dma source(%dma_start3A_53 : memref<40x125xi32, #tpu.memory_space<hbm>>) target(%arg7 : memref<40x125xi32, #tpu.memory_space<vmem>>) target_semaphore(%run_scoped3A : memref<!tpu.dma_semaphore, #tpu.memory_space<semaphore_mem>>)
        %dma_wait3A = arith.constant 0 : i32
        %dma_wait3A_54 = tpu.memref_slice %arg4[%add3A_24, %dma_wait3A] : memref<1280x125xi32, #tpu.memory_space<hbm>> -> memref<40x125xi32, #tpu.memory_space<hbm>>
        %dma_wait3A_55 = arith.constant 0 : i32
        %dma_wait3A_56 = tpu.memref_slice %arg4[%add3A_24, %dma_wait3A_55] : memref<1280x125xi32, #tpu.memory_space<hbm>> -> memref<40x125xi32, #tpu.memory_space<hbm>>
        tpu.wait_dma2 semaphore(%run_scoped3A : memref<!tpu.dma_semaphore, #tpu.memory_space<semaphore_mem>>) src(%dma_wait3A_56 : memref<40x125xi32, #tpu.memory_space<hbm>>) dst(%arg7 : memref<40x125xi32, #tpu.memory_space<vmem>>)
        tpu.yield
      }) : () -> ()
      %mul3A_25 = arith.constant 80 : i32
      %mul3A_26 = arith.muli %arg1, %mul3A_25 : i32
      %add3A_27 = arith.constant 0 : i32
      %add3A_28 = arith.addi %mul3A_26, %add3A_27 : i32
      "tpu.region"() ({
        %run_scoped3A = tpu.sem_alloc : memref<!tpu.dma_semaphore, #tpu.memory_space<semaphore_mem>>
        %dma_start3A = arith.constant 0 : i32
        %dma_start3A_51 = tpu.memref_slice %arg5[%add3A_28, %dma_start3A] : memref<1280x125xi32, #tpu.memory_space<hbm>> -> memref<40x125xi32, #tpu.memory_space<hbm>>
        %dma_start3A_52 = arith.constant 0 : i32
        %dma_start3A_53 = tpu.memref_slice %arg5[%add3A_28, %dma_start3A_52] : memref<1280x125xi32, #tpu.memory_space<hbm>> -> memref<40x125xi32, #tpu.memory_space<hbm>>
        tpu.enqueue_dma source(%dma_start3A_53 : memref<40x125xi32, #tpu.memory_space<hbm>>) target(%arg8 : memref<40x125xi32, #tpu.memory_space<vmem>>) target_semaphore(%run_scoped3A : memref<!tpu.dma_semaphore, #tpu.memory_space<semaphore_mem>>)
        %dma_wait3A = arith.constant 0 : i32
        %dma_wait3A_54 = tpu.memref_slice %arg5[%add3A_28, %dma_wait3A] : memref<1280x125xi32, #tpu.memory_space<hbm>> -> memref<40x125xi32, #tpu.memory_space<hbm>>
        %dma_wait3A_55 = arith.constant 0 : i32
        %dma_wait3A_56 = tpu.memref_slice %arg5[%add3A_28, %dma_wait3A_55] : memref<1280x125xi32, #tpu.memory_space<hbm>> -> memref<40x125xi32, #tpu.memory_space<hbm>>
        tpu.wait_dma2 semaphore(%run_scoped3A : memref<!tpu.dma_semaphore, #tpu.memory_space<semaphore_mem>>) src(%dma_wait3A_56 : memref<40x125xi32, #tpu.memory_space<hbm>>) dst(%arg8 : memref<40x125xi32, #tpu.memory_space<vmem>>)
        tpu.yield
      }) : () -> ()
      %scan3A_29 = arith.constant 0 : i32
      %scan3A_30 = arith.constant 0 : i32
      %scan3A_31 = arith.constant 40 : i32
      %scan3A_32 = arith.addi %scan3A_30, %scan3A_31 : i32
      %scan3A_33 = arith.constant 1 : i32
      %scan3A_34 = scf.for %scan3A_51 = %scan3A_30 to %scan3A_32 step %scan3A_33 iter_args(%scan3A_52 = %scan3A_29) -> (i32)  : i32 {
        %dma_start3A = arith.constant 0 : i32
        %dma_start3A_53 = tpu.memref_slice %arg7[%scan3A_51, %dma_start3A] : memref<40x125xi32, #tpu.memory_space<vmem>> -> memref<1x125xi32, #tpu.memory_space<vmem>>
        %dma_start3A_54 = tpu.memref_squeeze %dma_start3A_53 : memref<1x125xi32, #tpu.memory_space<vmem>> -> memref<125xi32, #tpu.memory_space<vmem>>
        %dma_start3A_55 = arith.constant 0 : i32
        %dma_start3A_56 = arith.constant 0 : i32
        %dma_start3A_57 = tpu.memref_slice %arg2[%dma_start3A_55, %dma_start3A_56] : memref<320000x128xf32, #tpu.memory_space<hbm>> -> memref<320000x128xf32, #tpu.memory_space<hbm>>
        tpu.enqueue_indirect_dma source(%dma_start3A_57 : memref<320000x128xf32, #tpu.memory_space<hbm>>) target(%arg9 : memref<125x128xf32, #tpu.memory_space<vmem>>) offsets(%dma_start3A_54 : memref<125xi32, #tpu.memory_space<vmem>>) semaphore(%arg10 : memref<!tpu.dma_semaphore, #tpu.memory_space<semaphore_mem>>)
        %dma_wait3A = arith.constant 0 : i32
        %dma_wait3A_58 = tpu.memref_slice %arg7[%scan3A_51, %dma_wait3A] : memref<40x125xi32, #tpu.memory_space<vmem>> -> memref<1x125xi32, #tpu.memory_space<vmem>>
        %dma_wait3A_59 = tpu.memref_squeeze %dma_wait3A_58 : memref<1x125xi32, #tpu.memory_space<vmem>> -> memref<125xi32, #tpu.memory_space<vmem>>
        %dma_wait3A_60 = arith.constant 0 : i32
        %dma_wait3A_61 = arith.constant 0 : i32
        %dma_wait3A_62 = tpu.memref_slice %arg2[%dma_wait3A_60, %dma_wait3A_61] : memref<320000x128xf32, #tpu.memory_space<hbm>> -> memref<320000x128xf32, #tpu.memory_space<hbm>>
        tpu.wait_indirect_dma semaphore(%arg10 : memref<!tpu.dma_semaphore, #tpu.memory_space<semaphore_mem>>) src(%dma_wait3A_62 : memref<320000x128xf32, #tpu.memory_space<hbm>>) dst(%arg9 : memref<125x128xf32, #tpu.memory_space<vmem>>)
        %dma_start3A_63 = arith.constant 0 : i32
        %dma_start3A_64 = tpu.memref_slice %arg8[%scan3A_51, %dma_start3A_63] : memref<40x125xi32, #tpu.memory_space<vmem>> -> memref<1x125xi32, #tpu.memory_space<vmem>>
        %dma_start3A_65 = tpu.memref_squeeze %dma_start3A_64 : memref<1x125xi32, #tpu.memory_space<vmem>> -> memref<125xi32, #tpu.memory_space<vmem>>
        %dma_start3A_66 = arith.constant 0 : i32
        %dma_start3A_67 = arith.constant 0 : i32
        %dma_start3A_68 = tpu.memref_slice %arg12[%dma_start3A_66, %dma_start3A_67] : memref<10000x128xf32, #tpu.memory_space<vmem_shared>> -> memref<10000x128xf32, #tpu.memory_space<vmem_shared>>
        tpu.enqueue_indirect_dma source(%arg9 : memref<125x128xf32, #tpu.memory_space<vmem>>) target(%dma_start3A_68 : memref<10000x128xf32, #tpu.memory_space<vmem_shared>>) offsets(%dma_start3A_65 : memref<125xi32, #tpu.memory_space<vmem>>) semaphore(%arg11 : memref<!tpu.dma_semaphore, #tpu.memory_space<semaphore_mem>>) {add = true}
        %dma_wait3A_69 = arith.constant 0 : i32
        %dma_wait3A_70 = tpu.memref_slice %arg8[%scan3A_51, %dma_wait3A_69] : memref<40x125xi32, #tpu.memory_space<vmem>> -> memref<1x125xi32, #tpu.memory_space<vmem>>
        %dma_wait3A_71 = tpu.memref_squeeze %dma_wait3A_70 : memref<1x125xi32, #tpu.memory_space<vmem>> -> memref<125xi32, #tpu.memory_space<vmem>>
        %dma_wait3A_72 = arith.constant 0 : i32
        %dma_wait3A_73 = arith.constant 0 : i32
        %dma_wait3A_74 = tpu.memref_slice %arg12[%dma_wait3A_72, %dma_wait3A_73] : memref<10000x128xf32, #tpu.memory_space<vmem_shared>> -> memref<10000x128xf32, #tpu.memory_space<vmem_shared>>
        tpu.wait_indirect_dma semaphore(%arg11 : memref<!tpu.dma_semaphore, #tpu.memory_space<semaphore_mem>>) src(%arg9 : memref<125x128xf32, #tpu.memory_space<vmem>>) dst(%dma_wait3A_74 : memref<10000x128xf32, #tpu.memory_space<vmem_shared>>)
        %scan3A_75 = arith.constant 0 : i32
        scf.yield %scan3A_75 : i32
      }
      %scan3A_35 = arith.constant 40 : i32
      %mul3A_36 = arith.constant 80 : i32
      %mul3A_37 = arith.muli %arg1, %mul3A_36 : i32
      %add3A_38 = arith.constant 40 : i32
      %add3A_39 = arith.addi %mul3A_37, %add3A_38 : i32
      "tpu.region"() ({
        %run_scoped3A = tpu.sem_alloc : memref<!tpu.dma_semaphore, #tpu.memory_space<semaphore_mem>>
        %dma_start3A = arith.constant 0 : i32
        %dma_start3A_51 = tpu.memref_slice %arg4[%add3A_39, %dma_start3A] : memref<1280x125xi32, #tpu.memory_space<hbm>> -> memref<40x125xi32, #tpu.memory_space<hbm>>
        %dma_start3A_52 = arith.constant 0 : i32
        %dma_start3A_53 = tpu.memref_slice %arg4[%add3A_39, %dma_start3A_52] : memref<1280x125xi32, #tpu.memory_space<hbm>> -> memref<40x125xi32, #tpu.memory_space<hbm>>
        tpu.enqueue_dma source(%dma_start3A_53 : memref<40x125xi32, #tpu.memory_space<hbm>>) target(%arg7 : memref<40x125xi32, #tpu.memory_space<vmem>>) target_semaphore(%run_scoped3A : memref<!tpu.dma_semaphore, #tpu.memory_space<semaphore_mem>>)
        %dma_wait3A = arith.constant 0 : i32
        %dma_wait3A_54 = tpu.memref_slice %arg4[%add3A_39, %dma_wait3A] : memref<1280x125xi32, #tpu.memory_space<hbm>> -> memref<40x125xi32, #tpu.memory_space<hbm>>
        %dma_wait3A_55 = arith.constant 0 : i32
        %dma_wait3A_56 = tpu.memref_slice %arg4[%add3A_39, %dma_wait3A_55] : memref<1280x125xi32, #tpu.memory_space<hbm>> -> memref<40x125xi32, #tpu.memory_space<hbm>>
        tpu.wait_dma2 semaphore(%run_scoped3A : memref<!tpu.dma_semaphore, #tpu.memory_space<semaphore_mem>>) src(%dma_wait3A_56 : memref<40x125xi32, #tpu.memory_space<hbm>>) dst(%arg7 : memref<40x125xi32, #tpu.memory_space<vmem>>)
        tpu.yield
      }) : () -> ()
      %mul3A_40 = arith.constant 80 : i32
      %mul3A_41 = arith.muli %arg1, %mul3A_40 : i32
      %add3A_42 = arith.constant 40 : i32
      %add3A_43 = arith.addi %mul3A_41, %add3A_42 : i32
      "tpu.region"() ({
        %run_scoped3A = tpu.sem_alloc : memref<!tpu.dma_semaphore, #tpu.memory_space<semaphore_mem>>
        %dma_start3A = arith.constant 0 : i32
        %dma_start3A_51 = tpu.memref_slice %arg5[%add3A_43, %dma_start3A] : memref<1280x125xi32, #tpu.memory_space<hbm>> -> memref<40x125xi32, #tpu.memory_space<hbm>>
        %dma_start3A_52 = arith.constant 0 : i32
        %dma_start3A_53 = tpu.memref_slice %arg5[%add3A_43, %dma_start3A_52] : memref<1280x125xi32, #tpu.memory_space<hbm>> -> memref<40x125xi32, #tpu.memory_space<hbm>>
        tpu.enqueue_dma source(%dma_start3A_53 : memref<40x125xi32, #tpu.memory_space<hbm>>) target(%arg8 : memref<40x125xi32, #tpu.memory_space<vmem>>) target_semaphore(%run_scoped3A : memref<!tpu.dma_semaphore, #tpu.memory_space<semaphore_mem>>)
        %dma_wait3A = arith.constant 0 : i32
        %dma_wait3A_54 = tpu.memref_slice %arg5[%add3A_43, %dma_wait3A] : memref<1280x125xi32, #tpu.memory_space<hbm>> -> memref<40x125xi32, #tpu.memory_space<hbm>>
        %dma_wait3A_55 = arith.constant 0 : i32
        %dma_wait3A_56 = tpu.memref_slice %arg5[%add3A_43, %dma_wait3A_55] : memref<1280x125xi32, #tpu.memory_space<hbm>> -> memref<40x125xi32, #tpu.memory_space<hbm>>
        tpu.wait_dma2 semaphore(%run_scoped3A : memref<!tpu.dma_semaphore, #tpu.memory_space<semaphore_mem>>) src(%dma_wait3A_56 : memref<40x125xi32, #tpu.memory_space<hbm>>) dst(%arg8 : memref<40x125xi32, #tpu.memory_space<vmem>>)
        tpu.yield
      }) : () -> ()
      %scan3A_44 = arith.constant 0 : i32
      %scan3A_45 = arith.constant 0 : i32
      %scan3A_46 = arith.constant 40 : i32
      %scan3A_47 = arith.addi %scan3A_45, %scan3A_46 : i32
      %scan3A_48 = arith.constant 1 : i32
      %scan3A_49 = scf.for %scan3A_51 = %scan3A_45 to %scan3A_47 step %scan3A_48 iter_args(%scan3A_52 = %scan3A_44) -> (i32)  : i32 {
        %dma_start3A = arith.constant 0 : i32
        %dma_start3A_53 = tpu.memref_slice %arg7[%scan3A_51, %dma_start3A] : memref<40x125xi32, #tpu.memory_space<vmem>> -> memref<1x125xi32, #tpu.memory_space<vmem>>
        %dma_start3A_54 = tpu.memref_squeeze %dma_start3A_53 : memref<1x125xi32, #tpu.memory_space<vmem>> -> memref<125xi32, #tpu.memory_space<vmem>>
        %dma_start3A_55 = arith.constant 0 : i32
        %dma_start3A_56 = arith.constant 0 : i32
        %dma_start3A_57 = tpu.memref_slice %arg2[%dma_start3A_55, %dma_start3A_56] : memref<320000x128xf32, #tpu.memory_space<hbm>> -> memref<320000x128xf32, #tpu.memory_space<hbm>>
        tpu.enqueue_indirect_dma source(%dma_start3A_57 : memref<320000x128xf32, #tpu.memory_space<hbm>>) target(%arg9 : memref<125x128xf32, #tpu.memory_space<vmem>>) offsets(%dma_start3A_54 : memref<125xi32, #tpu.memory_space<vmem>>) semaphore(%arg10 : memref<!tpu.dma_semaphore, #tpu.memory_space<semaphore_mem>>)
        %dma_wait3A = arith.constant 0 : i32
        %dma_wait3A_58 = tpu.memref_slice %arg7[%scan3A_51, %dma_wait3A] : memref<40x125xi32, #tpu.memory_space<vmem>> -> memref<1x125xi32, #tpu.memory_space<vmem>>
        %dma_wait3A_59 = tpu.memref_squeeze %dma_wait3A_58 : memref<1x125xi32, #tpu.memory_space<vmem>> -> memref<125xi32, #tpu.memory_space<vmem>>
        %dma_wait3A_60 = arith.constant 0 : i32
        %dma_wait3A_61 = arith.constant 0 : i32
        %dma_wait3A_62 = tpu.memref_slice %arg2[%dma_wait3A_60, %dma_wait3A_61] : memref<320000x128xf32, #tpu.memory_space<hbm>> -> memref<320000x128xf32, #tpu.memory_space<hbm>>
        tpu.wait_indirect_dma semaphore(%arg10 : memref<!tpu.dma_semaphore, #tpu.memory_space<semaphore_mem>>) src(%dma_wait3A_62 : memref<320000x128xf32, #tpu.memory_space<hbm>>) dst(%arg9 : memref<125x128xf32, #tpu.memory_space<vmem>>)
        %dma_start3A_63 = arith.constant 0 : i32
        %dma_start3A_64 = tpu.memref_slice %arg8[%scan3A_51, %dma_start3A_63] : memref<40x125xi32, #tpu.memory_space<vmem>> -> memref<1x125xi32, #tpu.memory_space<vmem>>
        %dma_start3A_65 = tpu.memref_squeeze %dma_start3A_64 : memref<1x125xi32, #tpu.memory_space<vmem>> -> memref<125xi32, #tpu.memory_space<vmem>>
        %dma_start3A_66 = arith.constant 0 : i32
        %dma_start3A_67 = arith.constant 0 : i32
        %dma_start3A_68 = tpu.memref_slice %arg12[%dma_start3A_66, %dma_start3A_67] : memref<10000x128xf32, #tpu.memory_space<vmem_shared>> -> memref<10000x128xf32, #tpu.memory_space<vmem_shared>>
        tpu.enqueue_indirect_dma source(%arg9 : memref<125x128xf32, #tpu.memory_space<vmem>>) target(%dma_start3A_68 : memref<10000x128xf32, #tpu.memory_space<vmem_shared>>) offsets(%dma_start3A_65 : memref<125xi32, #tpu.memory_space<vmem>>) semaphore(%arg11 : memref<!tpu.dma_semaphore, #tpu.memory_space<semaphore_mem>>) {add = true}
        %dma_wait3A_69 = arith.constant 0 : i32
        %dma_wait3A_70 = tpu.memref_slice %arg8[%scan3A_51, %dma_wait3A_69] : memref<40x125xi32, #tpu.memory_space<vmem>> -> memref<1x125xi32, #tpu.memory_space<vmem>>
        %dma_wait3A_71 = tpu.memref_squeeze %dma_wait3A_70 : memref<1x125xi32, #tpu.memory_space<vmem>> -> memref<125xi32, #tpu.memory_space<vmem>>
        %dma_wait3A_72 = arith.constant 0 : i32
        %dma_wait3A_73 = arith.constant 0 : i32
        %dma_wait3A_74 = tpu.memref_slice %arg12[%dma_wait3A_72, %dma_wait3A_73] : memref<10000x128xf32, #tpu.memory_space<vmem_shared>> -> memref<10000x128xf32, #tpu.memory_space<vmem_shared>>
        tpu.wait_indirect_dma semaphore(%arg11 : memref<!tpu.dma_semaphore, #tpu.memory_space<semaphore_mem>>) src(%arg9 : memref<125x128xf32, #tpu.memory_space<vmem>>) dst(%dma_wait3A_74 : memref<10000x128xf32, #tpu.memory_space<vmem_shared>>)
        %scan3A_75 = arith.constant 0 : i32
        scf.yield %scan3A_75 : i32
      }
      %scan3A_50 = arith.constant 40 : i32
    } else {
    }
    %barrier3A_17 = arith.constant 0 : index
    tpu.barrier barrier_id(%barrier3A_17)
    %lt3A_18 = arith.constant 10 : i32
    %lt3A_19 = arith.cmpi slt, %arg1, %lt3A_18 : i32
    %convert_element_type3A_20 = arith.extui %lt3A_19 : i1 to i32
    %cond3A_21 = arith.constant 0 : i32
    %cond3A_22 = arith.cmpi ne, %convert_element_type3A_20, %cond3A_21 : i32
    scf.if %cond3A_22 {
      %mul3A = arith.constant 1000 : i32
      %mul3A_23 = arith.muli %arg1, %mul3A : i32
      %mul3A_24 = arith.constant 1000 : i32
      %mul3A_25 = arith.muli %arg1, %mul3A_24 : i32
      "tpu.region"() ({
        %run_scoped3A = tpu.sem_alloc : memref<!tpu.dma_semaphore, #tpu.memory_space<semaphore_mem>>
        %dma_start3A = arith.constant 0 : i32
        %dma_start3A_26 = tpu.memref_slice %arg6[%arg0, %mul3A_25, %dma_start3A] : memref<2x10000x128xf32, #tpu.memory_space<hbm>> -> memref<1x1000x128xf32, #tpu.memory_space<hbm>>
        %dma_start3A_27 = tpu.memref_squeeze %dma_start3A_26 : memref<1x1000x128xf32, #tpu.memory_space<hbm>> -> memref<1000x128xf32, #tpu.memory_space<hbm>>
        %dma_start3A_28 = arith.constant 0 : i32
        %dma_start3A_29 = tpu.memref_slice %arg12[%mul3A_23, %dma_start3A_28] : memref<10000x128xf32, #tpu.memory_space<vmem_shared>> -> memref<1000x128xf32, #tpu.memory_space<vmem_shared>>
        tpu.enqueue_dma source(%dma_start3A_29 : memref<1000x128xf32, #tpu.memory_space<vmem_shared>>) target(%dma_start3A_27 : memref<1000x128xf32, #tpu.memory_space<hbm>>) target_semaphore(%run_scoped3A : memref<!tpu.dma_semaphore, #tpu.memory_space<semaphore_mem>>)
        %dma_wait3A = arith.constant 0 : i32
        %dma_wait3A_30 = tpu.memref_slice %arg6[%arg0, %mul3A_25, %dma_wait3A] : memref<2x10000x128xf32, #tpu.memory_space<hbm>> -> memref<1x1000x128xf32, #tpu.memory_space<hbm>>
        %dma_wait3A_31 = tpu.memref_squeeze %dma_wait3A_30 : memref<1x1000x128xf32, #tpu.memory_space<hbm>> -> memref<1000x128xf32, #tpu.memory_space<hbm>>
        %dma_wait3A_32 = arith.constant 0 : i32
        %dma_wait3A_33 = tpu.memref_slice %arg12[%mul3A_23, %dma_wait3A_32] : memref<10000x128xf32, #tpu.memory_space<vmem_shared>> -> memref<1000x128xf32, #tpu.memory_space<vmem_shared>>
        tpu.wait_dma2 semaphore(%run_scoped3A : memref<!tpu.dma_semaphore, #tpu.memory_space<semaphore_mem>>) src(%dma_wait3A_33 : memref<1000x128xf32, #tpu.memory_space<vmem_shared>>) dst(%dma_wait3A_31 : memref<1000x128xf32, #tpu.memory_space<hbm>>)
        tpu.yield
      }) : () -> ()
    } else {
    }
    return
  }
}

module attributes {stable_mosaic.version = 14 : i64} {
  func.func @body(%arg0: i32, %arg1: i32, %arg2: memref<1000x256xf32, #tpu.memory_space<vmem>>, %arg3: memref<1x256x256xf32, #tpu.memory_space<vmem>>, %arg4: memref<1000x256xf32, #tpu.memory_space<vmem>>) attributes {dimension_semantics = [#tpu.dimension_semantics<arbitrary>, #tpu.dimension_semantics<arbitrary>], iteration_bounds = array<i64: 10, 16>, scalar_prefetch = 0 : i64, scratch_operands = 0 : i64, tpu.core_type = #tpu.core_type<tc>, window_params = [{transform_indices = @transform_0, window_bounds = array<i64: 1000, 256>}, {transform_indices = @transform_1, window_bounds = array<i64: 1, 256, 256>}, {transform_indices = @transform_2, window_bounds = array<i64: 1000, 256>}]} {
    %get3A = arith.constant 0 : index
    %get3A_0 = arith.constant 0 : index
    %get3A_1 = vector.load %arg2[%get3A, %get3A_0] : memref<1000x256xf32, #tpu.memory_space<vmem>>, vector<1000x256xf32>
    %get3A_2 = arith.constant 0 : index
    %get3A_3 = arith.constant 0 : index
    %get3A_4 = arith.constant 0 : index
    %get3A_5 = vector.load %arg3[%get3A_2, %get3A_3, %get3A_4] : memref<1x256x256xf32, #tpu.memory_space<vmem>>, vector<1x256x256xf32>
    %get3A_6 = vector.shape_cast %get3A_5 : vector<1x256x256xf32> to vector<256x256xf32>
    %dot_general3A = arith.constant dense<0.000000e+00> : vector<1000x256xf32>
    %dot_general3A_7 = tpu.matmul %get3A_1, %get3A_6, %dot_general3A {dimension_numbers = #tpu.dot_dimension_numbers<[1], [0], [0], [1], [0, 0, 1, 1], [], []>, transpose_lhs_hint = false} : vector<1000x256xf32>, vector<256x256xf32>, vector<1000x256xf32> -> vector<1000x256xf32>
    %swap3A = arith.constant 0 : index
    %swap3A_8 = arith.constant 0 : index
    %swap3A_9 = vector.load %arg4[%swap3A, %swap3A_8] : memref<1000x256xf32, #tpu.memory_space<vmem>>, vector<1000x256xf32>
    tpu.vector_store %arg4[%swap3A, %swap3A_8], %dot_general3A_7 {strides = array<i32>} : memref<1000x256xf32, #tpu.memory_space<vmem>>, vector<1000x256xf32>,
    return
  }
  func.func @transform_0(%arg0: i32, %arg1: i32) -> (i32, i32) {
    %c0_i32 = arith.constant 0 : i32
    %c0_i32_0 = arith.constant 0 : i32
    return %arg0, %c0_i32 : i32, i32
  }
  func.func @transform_1(%arg0: i32, %arg1: i32) -> (i32, i32, i32) {
    %c0_i32 = arith.constant 0 : i32
    %c0_i32_0 = arith.constant 0 : i32
    %c0_i32_1 = arith.constant 0 : i32
    return %arg1, %c0_i32, %c0_i32_0 : i32, i32, i32
  }
  func.func @transform_2(%arg0: i32, %arg1: i32) -> (i32, i32) {
    %mul3A = arith.constant 10 : i32
    %mul3A_0 = arith.muli %arg1, %mul3A : i32
    %add3A = arith.addi %mul3A_0, %arg0 : i32
    %c0_i32 = arith.constant 0 : i32
    %c0_i32_1 = arith.constant 0 : i32
    return %add3A, %c0_i32 : i32, i32
  }
}

module attributes {stable_mosaic.version = 14 : i64} {
  func.func @body(%arg0: i32, %arg1: memref<1000x1xi32, #tpu.memory_space<vmem>>, %arg2: memref<1000x1xi32, #tpu.memory_space<vmem>>, %arg3: memref<79x128xf32, #tpu.memory_space<vmem>>, %arg4: memref<79x128xf32, #tpu.memory_space<vmem>>) attributes {dimension_semantics = [#tpu.dimension_semantics<arbitrary>], iteration_bounds = array<i64: 160>, scalar_prefetch = 0 : i64, scratch_operands = 1 : i64, tpu.core_type = #tpu.core_type<tc>, window_params = [{transform_indices = @transform_0, window_bounds = array<i64: 1000, 1>}, {transform_indices = @transform_1, window_bounds = array<i64: 1000, 1>}, {pipeline_mode = #tpu.pipeline_mode<synchronous>, transform_indices = @transform_2, window_bounds = array<i64: 79, 128>}]} {
    %eq3A = arith.constant 0 : i32
    %eq3A_0 = arith.cmpi eq, %arg0, %eq3A : i32
    %convert_element_type3A = arith.extui %eq3A_0 : i1 to i32
    %cond3A = arith.constant 0 : i32
    %cond3A_1 = arith.cmpi ne, %convert_element_type3A, %cond3A : i32
    scf.if %cond3A_1 {
      %broadcast_in_dim3A = arith.constant 0.000000e+00 : f32
      %broadcast_in_dim3A_29 = vector.broadcast %broadcast_in_dim3A : f32 to vector<79x128xf32>
      %swap3A_30 = arith.constant 0 : index
      %swap3A_31 = arith.constant 0 : index
      %swap3A_32 = vector.load %arg4[%swap3A_30, %swap3A_31] : memref<79x128xf32, #tpu.memory_space<vmem>>, vector<79x128xf32>
      tpu.vector_store %arg4[%swap3A_30, %swap3A_31], %broadcast_in_dim3A_29 {strides = array<i32>} : memref<79x128xf32, #tpu.memory_space<vmem>>, vector<79x128xf32>,
    } else {
    }
    %iota3A = tpu.iota {dimensions = array<i32: 1>} : vector<1000x79xi32>
    %iota3A_2 = tpu.iota {dimensions = array<i32: 1>} : vector<1000x128xi32>
    %get3A = arith.constant 0 : index
    %get3A_3 = arith.constant 0 : index
    %get3A_4 = vector.load %arg1[%get3A, %get3A_3] : memref<1000x1xi32, #tpu.memory_space<vmem>>, vector<1000x1xi32>
    %eq3A_5 = vector.broadcast %get3A_4 : vector<1000x1xi32> to vector<1000x79xi32>
    %eq3A_6 = arith.cmpi eq, %eq3A_5, %iota3A : vector<1000x79xi32>
    %convert_element_type3A_7 = arith.extui %eq3A_6 : vector<1000x79xi1> to vector<1000x79xi32>
    %convert_element_type3A_8 = arith.sitofp %convert_element_type3A_7 : vector<1000x79xi32> to vector<1000x79xf32>
    %convert_element_type3A_9 = arith.truncf %convert_element_type3A_8 : vector<1000x79xf32> to vector<1000x79xbf16>
    %get3A_10 = arith.constant 0 : index
    %get3A_11 = arith.constant 0 : index
    %get3A_12 = vector.load %arg2[%get3A_10, %get3A_11] : memref<1000x1xi32, #tpu.memory_space<vmem>>, vector<1000x1xi32>
    %eq3A_13 = vector.broadcast %get3A_12 : vector<1000x1xi32> to vector<1000x128xi32>
    %eq3A_14 = arith.cmpi eq, %eq3A_13, %iota3A_2 : vector<1000x128xi32>
    %convert_element_type3A_15 = arith.extui %eq3A_14 : vector<1000x128xi1> to vector<1000x128xi32>
    %convert_element_type3A_16 = arith.sitofp %convert_element_type3A_15 : vector<1000x128xi32> to vector<1000x128xf32>
    %convert_element_type3A_17 = arith.truncf %convert_element_type3A_16 : vector<1000x128xf32> to vector<1000x128xbf16>
    %get3A_18 = arith.constant 0 : index
    %get3A_19 = arith.constant 0 : index
    %get3A_20 = vector.load %arg4[%get3A_18, %get3A_19] : memref<79x128xf32, #tpu.memory_space<vmem>>, vector<79x128xf32>
    %dot_general3A = arith.constant dense<0.000000e+00> : vector<79x128xf32>
    %dot_general3A_21 = tpu.matmul %convert_element_type3A_9, %convert_element_type3A_17, %dot_general3A {dimension_numbers = #tpu.dot_dimension_numbers<[0], [0], [1], [1], [0, 1, 1, 1], [], []>, transpose_lhs_hint = false} : vector<1000x79xbf16>, vector<1000x128xbf16>, vector<79x128xf32> -> vector<79x128xf32>
    %add3A = arith.addf %get3A_20, %dot_general3A_21 : vector<79x128xf32>
    %swap3A = arith.constant 0 : index
    %swap3A_22 = arith.constant 0 : index
    %swap3A_23 = vector.load %arg4[%swap3A, %swap3A_22] : memref<79x128xf32, #tpu.memory_space<vmem>>, vector<79x128xf32>
    tpu.vector_store %arg4[%swap3A, %swap3A_22], %add3A {strides = array<i32>} : memref<79x128xf32, #tpu.memory_space<vmem>>, vector<79x128xf32>,
    %eq3A_24 = arith.constant 159 : i32
    %eq3A_25 = arith.cmpi eq, %arg0, %eq3A_24 : i32
    %convert_element_type3A_26 = arith.extui %eq3A_25 : i1 to i32
    %cond3A_27 = arith.constant 0 : i32
    %cond3A_28 = arith.cmpi ne, %convert_element_type3A_26, %cond3A_27 : i32
    scf.if %cond3A_28 {
      %get3A_29 = arith.constant 0 : index
      %get3A_30 = arith.constant 0 : index
      %get3A_31 = vector.load %arg4[%get3A_29, %get3A_30] : memref<79x128xf32, #tpu.memory_space<vmem>>, vector<79x128xf32>
      %swap3A_32 = arith.constant 0 : index
      %swap3A_33 = arith.constant 0 : index
      %swap3A_34 = vector.load %arg3[%swap3A_32, %swap3A_33] : memref<79x128xf32, #tpu.memory_space<vmem>>, vector<79x128xf32>
      tpu.vector_store %arg3[%swap3A_32, %swap3A_33], %get3A_31 {strides = array<i32>} : memref<79x128xf32, #tpu.memory_space<vmem>>, vector<79x128xf32>,
    } else {
    }
    return
  }
  func.func @transform_0(%arg0: i32) -> (i32, i32) {
    %c0_i32 = arith.constant 0 : i32
    %c0_i32_0 = arith.constant 0 : i32
    return %arg0, %c0_i32 : i32, i32
  }
  func.func @transform_1(%arg0: i32) -> (i32, i32) {
    %c0_i32 = arith.constant 0 : i32
    %c0_i32_0 = arith.constant 0 : i32
    return %arg0, %c0_i32 : i32, i32
  }
  func.func @transform_2(%arg0: i32) -> (i32, i32) {
    %c0_i32 = arith.constant 0 : i32
    %c0_i32_0 = arith.constant 0 : i32
    %c0_i32_1 = arith.constant 0 : i32
    return %c0_i32, %c0_i32_0 : i32, i32
  }
}

module attributes {stable_mosaic.version = 14 : i64} {
  func.func @body(%arg0: i32, %arg1: i32, %arg2: memref<2x1000x128xf32, #tpu.memory_space<vmem>>, %arg3: memref<1000x1xf32, #tpu.memory_space<vmem>>, %arg4: memref<1000x256xf32, #tpu.memory_space<vmem>>, %arg5: memref<256x256xf32, #tpu.memory_space<vmem>>, %arg6: memref<1x256xf32, #tpu.memory_space<vmem>>, %arg7: memref<1x256x256xf32, #tpu.memory_space<vmem>>, %arg8: memref<1000x256xf32, #tpu.memory_space<vmem>>, %arg9: memref<1000x256xf32, #tpu.memory_space<vmem>>, %arg10: memref<1000x256xf32, #tpu.memory_space<vmem>>) attributes {dimension_semantics = [#tpu.dimension_semantics<arbitrary>, #tpu.dimension_semantics<arbitrary>], iteration_bounds = array<i64: 10, 16>, scalar_prefetch = 0 : i64, scratch_operands = 1 : i64, tpu.core_type = #tpu.core_type<tc>, window_params = [{transform_indices = @transform_0, window_bounds = array<i64: 2, 1000, 128>}, {transform_indices = @transform_1, window_bounds = array<i64: 1000, 1>}, {transform_indices = @transform_2, window_bounds = array<i64: 1000, 256>}, {pipeline_mode = #tpu.pipeline_mode<synchronous>, transform_indices = @transform_3, window_bounds = array<i64: 256, 256>}, {pipeline_mode = #tpu.pipeline_mode<synchronous>, transform_indices = @transform_4, window_bounds = array<i64: 1, 256>}, {transform_indices = @transform_5, window_bounds = array<i64: 1, 256, 256>}, {transform_indices = @transform_6, window_bounds = array<i64: 1000, 256>}, {transform_indices = @transform_7, window_bounds = array<i64: 1000, 256>}]} {
    %eq3A = arith.constant 0 : i32
    %eq3A_0 = arith.cmpi eq, %arg1, %eq3A : i32
    %convert_element_type3A = arith.extui %eq3A_0 : i1 to i32
    %cond3A = arith.constant 0 : i32
    %cond3A_1 = arith.cmpi ne, %convert_element_type3A, %cond3A : i32
    scf.if %cond3A_1 {
      %get3A_12 = arith.constant 0 : index
      %get3A_13 = arith.constant 0 : index
      %get3A_14 = vector.load %arg3[%get3A_12, %get3A_13] : memref<1000x1xf32, #tpu.memory_space<vmem>>, vector<1000x1xf32>
      %jit3A = arith.constant 1.000000e+00 : f32
      %max3A = vector.broadcast %jit3A : f32 to vector<1000x1xf32>
      %max3A_15 = arith.maximumf %max3A, %get3A_14 : vector<1000x1xf32>
      %div3A = arith.constant 1.000000e+00 : f32
      %div3A_16 = vector.broadcast %div3A : f32 to vector<1000x1xf32>
      %div3A_17 = arith.divf %div3A_16, %max3A_15 : vector<1000x1xf32>
      %get3A_18 = arith.constant 0 : index
      %get3A_19 = arith.constant 0 : index
      %get3A_20 = arith.constant 0 : index
      %get3A_21 = vector.load %arg2[%get3A_18, %get3A_19, %get3A_20] : memref<2x1000x128xf32, #tpu.memory_space<vmem>>, vector<1x1000x128xf32>
      %get3A_22 = vector.shape_cast %get3A_21 : vector<1x1000x128xf32> to vector<1000x128xf32>
      %mul3A = vector.broadcast %div3A_17 : vector<1000x1xf32> to vector<1000x128xf32>
      %mul3A_23 = arith.mulf %get3A_22, %mul3A : vector<1000x128xf32>
      %get3A_24 = arith.constant 1 : index
      %get3A_25 = arith.constant 0 : index
      %get3A_26 = arith.constant 0 : index
      %get3A_27 = vector.load %arg2[%get3A_24, %get3A_25, %get3A_26] : memref<2x1000x128xf32, #tpu.memory_space<vmem>>, vector<1x1000x128xf32>
      %get3A_28 = vector.shape_cast %get3A_27 : vector<1x1000x128xf32> to vector<1000x128xf32>
      %mul3A_29 = vector.broadcast %div3A_17 : vector<1000x1xf32> to vector<1000x128xf32>
      %mul3A_30 = arith.mulf %get3A_28, %mul3A_29 : vector<1000x128xf32>
      %concatenate3A = tpu.concatenate %mul3A_23, %mul3A_30 in 1 : vector<1000x128xf32>, vector<1000x128xf32> -> vector<1000x256xf32>
      %get3A_31 = arith.constant 0 : index
      %get3A_32 = arith.constant 0 : index
      %get3A_33 = vector.load %arg4[%get3A_31, %get3A_32] : memref<1000x256xf32, #tpu.memory_space<vmem>>, vector<1000x256xf32>
      %get3A_34 = arith.constant 0 : index
      %get3A_35 = arith.constant 0 : index
      %get3A_36 = vector.load %arg5[%get3A_34, %get3A_35] : memref<256x256xf32, #tpu.memory_space<vmem>>, vector<256x256xf32>
      %dot_general3A_37 = arith.constant dense<0.000000e+00> : vector<1000x256xf32>
      %dot_general3A_38 = tpu.matmul %get3A_33, %get3A_36, %dot_general3A_37 {dimension_numbers = #tpu.dot_dimension_numbers<[1], [0], [0], [1], [0, 0, 1, 1], [], []>, transpose_lhs_hint = false} : vector<1000x256xf32>, vector<256x256xf32>, vector<1000x256xf32> -> vector<1000x256xf32>
      %get3A_39 = arith.constant 0 : index
      %get3A_40 = arith.constant 0 : index
      %get3A_41 = vector.load %arg6[%get3A_39, %get3A_40] : memref<1x256xf32, #tpu.memory_space<vmem>>, vector<1x256xf32>
      %add3A = vector.broadcast %get3A_41 : vector<1x256xf32> to vector<1000x256xf32>
      %add3A_42 = arith.addf %dot_general3A_38, %add3A : vector<1000x256xf32>
      %add3A_43 = arith.addf %concatenate3A, %add3A_42 : vector<1000x256xf32>
      %max3A_44 = arith.constant 0.000000e+00 : f32
      %max3A_45 = vector.broadcast %max3A_44 : f32 to vector<1000x256xf32>
      %max3A_46 = arith.maximumf %add3A_43, %max3A_45 : vector<1000x256xf32>
      %swap3A_47 = arith.constant 0 : index
      %swap3A_48 = arith.constant 0 : index
      %swap3A_49 = vector.load %arg10[%swap3A_47, %swap3A_48] : memref<1000x256xf32, #tpu.memory_space<vmem>>, vector<1000x256xf32>
      tpu.vector_store %arg10[%swap3A_47, %swap3A_48], %max3A_46 {strides = array<i32>} : memref<1000x256xf32, #tpu.memory_space<vmem>>, vector<1000x256xf32>,
      %swap3A_50 = arith.constant 0 : index
      %swap3A_51 = arith.constant 0 : index
      %swap3A_52 = vector.load %arg8[%swap3A_50, %swap3A_51] : memref<1000x256xf32, #tpu.memory_space<vmem>>, vector<1000x256xf32>
      tpu.vector_store %arg8[%swap3A_50, %swap3A_51], %max3A_46 {strides = array<i32>} : memref<1000x256xf32, #tpu.memory_space<vmem>>, vector<1000x256xf32>,
    } else {
    }
    %get3A = arith.constant 0 : index
    %get3A_2 = arith.constant 0 : index
    %get3A_3 = vector.load %arg10[%get3A, %get3A_2] : memref<1000x256xf32, #tpu.memory_space<vmem>>, vector<1000x256xf32>
    %get3A_4 = arith.constant 0 : index
    %get3A_5 = arith.constant 0 : index
    %get3A_6 = arith.constant 0 : index
    %get3A_7 = vector.load %arg7[%get3A_4, %get3A_5, %get3A_6] : memref<1x256x256xf32, #tpu.memory_space<vmem>>, vector<1x256x256xf32>
    %get3A_8 = vector.shape_cast %get3A_7 : vector<1x256x256xf32> to vector<256x256xf32>
    %dot_general3A = arith.constant dense<0.000000e+00> : vector<1000x256xf32>
    %dot_general3A_9 = tpu.matmul %get3A_3, %get3A_8, %dot_general3A {dimension_numbers = #tpu.dot_dimension_numbers<[1], [0], [0], [1], [0, 0, 1, 1], [], []>, transpose_lhs_hint = false} : vector<1000x256xf32>, vector<256x256xf32>, vector<1000x256xf32> -> vector<1000x256xf32>
    %swap3A = arith.constant 0 : index
    %swap3A_10 = arith.constant 0 : index
    %swap3A_11 = vector.load %arg9[%swap3A, %swap3A_10] : memref<1000x256xf32, #tpu.memory_space<vmem>>, vector<1000x256xf32>
    tpu.vector_store %arg9[%swap3A, %swap3A_10], %dot_general3A_9 {strides = array<i32>} : memref<1000x256xf32, #tpu.memory_space<vmem>>, vector<1000x256xf32>,
    return
  }
  func.func @transform_0(%arg0: i32, %arg1: i32) -> (i32, i32, i32) {
    %c0_i32 = arith.constant 0 : i32
    %c0_i32_0 = arith.constant 0 : i32
    %c0_i32_1 = arith.constant 0 : i32
    return %c0_i32, %arg0, %c0_i32_0 : i32, i32, i32
  }
  func.func @transform_1(%arg0: i32, %arg1: i32) -> (i32, i32) {
    %c0_i32 = arith.constant 0 : i32
    %c0_i32_0 = arith.constant 0 : i32
    return %arg0, %c0_i32 : i32, i32
  }
  func.func @transform_2(%arg0: i32, %arg1: i32) -> (i32, i32) {
    %c0_i32 = arith.constant 0 : i32
    %c0_i32_0 = arith.constant 0 : i32
    return %arg0, %c0_i32 : i32, i32
  }
  func.func @transform_3(%arg0: i32, %arg1: i32) -> (i32, i32) {
    %c0_i32 = arith.constant 0 : i32
    %c0_i32_0 = arith.constant 0 : i32
    %c0_i32_1 = arith.constant 0 : i32
    return %c0_i32, %c0_i32_0 : i32, i32
  }
  func.func @transform_4(%arg0: i32, %arg1: i32) -> (i32, i32) {
    %c0_i32 = arith.constant 0 : i32
    %c0_i32_0 = arith.constant 0 : i32
    %c0_i32_1 = arith.constant 0 : i32
    return %c0_i32, %c0_i32_0 : i32, i32
  }
  func.func @transform_5(%arg0: i32, %arg1: i32) -> (i32, i32, i32) {
    %c0_i32 = arith.constant 0 : i32
    %c0_i32_0 = arith.constant 0 : i32
    %c0_i32_1 = arith.constant 0 : i32
    return %arg1, %c0_i32, %c0_i32_0 : i32, i32, i32
  }
  func.func @transform_6(%arg0: i32, %arg1: i32) -> (i32, i32) {
    %c0_i32 = arith.constant 0 : i32
    %c0_i32_0 = arith.constant 0 : i32
    return %arg0, %c0_i32 : i32, i32
  }
  func.func @transform_7(%arg0: i32, %arg1: i32) -> (i32, i32) {
    %mul3A = arith.constant 10 : i32
    %mul3A_0 = arith.muli %arg1, %mul3A : i32
    %add3A = arith.addi %mul3A_0, %arg0 : i32
    %c0_i32 = arith.constant 0 : i32
    %c0_i32_1 = arith.constant 0 : i32
    return %add3A, %c0_i32 : i32, i32
  }
}

module attributes {stable_mosaic.version = 14 : i64} {
  func.func @body(%arg0: i32, %arg1: memref<2x1000x128xf32, #tpu.memory_space<vmem>>, %arg2: memref<1000x1xf32, #tpu.memory_space<vmem>>, %arg3: memref<1000x256xf32, #tpu.memory_space<vmem>>, %arg4: memref<256x256xf32, #tpu.memory_space<vmem>>, %arg5: memref<1x256xf32, #tpu.memory_space<vmem>>, %arg6: memref<1000x256xf32, #tpu.memory_space<vmem>>) attributes {dimension_semantics = [#tpu.dimension_semantics<arbitrary>], iteration_bounds = array<i64: 10>, scalar_prefetch = 0 : i64, scratch_operands = 0 : i64, tpu.core_type = #tpu.core_type<tc>, window_params = [{transform_indices = @transform_0, window_bounds = array<i64: 2, 1000, 128>}, {transform_indices = @transform_1, window_bounds = array<i64: 1000, 1>}, {transform_indices = @transform_2, window_bounds = array<i64: 1000, 256>}, {pipeline_mode = #tpu.pipeline_mode<synchronous>, transform_indices = @transform_3, window_bounds = array<i64: 256, 256>}, {pipeline_mode = #tpu.pipeline_mode<synchronous>, transform_indices = @transform_4, window_bounds = array<i64: 1, 256>}, {transform_indices = @transform_5, window_bounds = array<i64: 1000, 256>}]} {
    %get3A = arith.constant 0 : index
    %get3A_0 = arith.constant 0 : index
    %get3A_1 = vector.load %arg2[%get3A, %get3A_0] : memref<1000x1xf32, #tpu.memory_space<vmem>>, vector<1000x1xf32>
    %jit3A = arith.constant 1.000000e+00 : f32
    %max3A = vector.broadcast %jit3A : f32 to vector<1000x1xf32>
    %max3A_2 = arith.maximumf %max3A, %get3A_1 : vector<1000x1xf32>
    %div3A = arith.constant 1.000000e+00 : f32
    %div3A_3 = vector.broadcast %div3A : f32 to vector<1000x1xf32>
    %div3A_4 = arith.divf %div3A_3, %max3A_2 : vector<1000x1xf32>
    %get3A_5 = arith.constant 0 : index
    %get3A_6 = arith.constant 0 : index
    %get3A_7 = arith.constant 0 : index
    %get3A_8 = vector.load %arg1[%get3A_5, %get3A_6, %get3A_7] : memref<2x1000x128xf32, #tpu.memory_space<vmem>>, vector<1x1000x128xf32>
    %get3A_9 = vector.shape_cast %get3A_8 : vector<1x1000x128xf32> to vector<1000x128xf32>
    %mul3A = vector.broadcast %div3A_4 : vector<1000x1xf32> to vector<1000x128xf32>
    %mul3A_10 = arith.mulf %get3A_9, %mul3A : vector<1000x128xf32>
    %get3A_11 = arith.constant 1 : index
    %get3A_12 = arith.constant 0 : index
    %get3A_13 = arith.constant 0 : index
    %get3A_14 = vector.load %arg1[%get3A_11, %get3A_12, %get3A_13] : memref<2x1000x128xf32, #tpu.memory_space<vmem>>, vector<1x1000x128xf32>
    %get3A_15 = vector.shape_cast %get3A_14 : vector<1x1000x128xf32> to vector<1000x128xf32>
    %mul3A_16 = vector.broadcast %div3A_4 : vector<1000x1xf32> to vector<1000x128xf32>
    %mul3A_17 = arith.mulf %get3A_15, %mul3A_16 : vector<1000x128xf32>
    %concatenate3A = tpu.concatenate %mul3A_10, %mul3A_17 in 1 : vector<1000x128xf32>, vector<1000x128xf32> -> vector<1000x256xf32>
    %get3A_18 = arith.constant 0 : index
    %get3A_19 = arith.constant 0 : index
    %get3A_20 = vector.load %arg3[%get3A_18, %get3A_19] : memref<1000x256xf32, #tpu.memory_space<vmem>>, vector<1000x256xf32>
    %get3A_21 = arith.constant 0 : index
    %get3A_22 = arith.constant 0 : index
    %get3A_23 = vector.load %arg4[%get3A_21, %get3A_22] : memref<256x256xf32, #tpu.memory_space<vmem>>, vector<256x256xf32>
    %dot_general3A = arith.constant dense<0.000000e+00> : vector<1000x256xf32>
    %dot_general3A_24 = tpu.matmul %get3A_20, %get3A_23, %dot_general3A {dimension_numbers = #tpu.dot_dimension_numbers<[1], [0], [0], [1], [0, 0, 1, 1], [], []>, transpose_lhs_hint = false} : vector<1000x256xf32>, vector<256x256xf32>, vector<1000x256xf32> -> vector<1000x256xf32>
    %get3A_25 = arith.constant 0 : index
    %get3A_26 = arith.constant 0 : index
    %get3A_27 = vector.load %arg5[%get3A_25, %get3A_26] : memref<1x256xf32, #tpu.memory_space<vmem>>, vector<1x256xf32>
    %add3A = vector.broadcast %get3A_27 : vector<1x256xf32> to vector<1000x256xf32>
    %add3A_28 = arith.addf %dot_general3A_24, %add3A : vector<1000x256xf32>
    %add3A_29 = arith.addf %concatenate3A, %add3A_28 : vector<1000x256xf32>
    %swap3A = arith.constant 0 : index
    %swap3A_30 = arith.constant 0 : index
    %swap3A_31 = vector.load %arg6[%swap3A, %swap3A_30] : memref<1000x256xf32, #tpu.memory_space<vmem>>, vector<1000x256xf32>
    tpu.vector_store %arg6[%swap3A, %swap3A_30], %add3A_29 {strides = array<i32>} : memref<1000x256xf32, #tpu.memory_space<vmem>>, vector<1000x256xf32>,
    return
  }
  func.func @transform_0(%arg0: i32) -> (i32, i32, i32) {
    %c0_i32 = arith.constant 0 : i32
    %c0_i32_0 = arith.constant 0 : i32
    %c0_i32_1 = arith.constant 0 : i32
    return %c0_i32, %arg0, %c0_i32_0 : i32, i32, i32
  }
  func.func @transform_1(%arg0: i32) -> (i32, i32) {
    %c0_i32 = arith.constant 0 : i32
    %c0_i32_0 = arith.constant 0 : i32
    return %arg0, %c0_i32 : i32, i32
  }
  func.func @transform_2(%arg0: i32) -> (i32, i32) {
    %c0_i32 = arith.constant 0 : i32
    %c0_i32_0 = arith.constant 0 : i32
    return %arg0, %c0_i32 : i32, i32
  }
  func.func @transform_3(%arg0: i32) -> (i32, i32) {
    %c0_i32 = arith.constant 0 : i32
    %c0_i32_0 = arith.constant 0 : i32
    %c0_i32_1 = arith.constant 0 : i32
    return %c0_i32, %c0_i32_0 : i32, i32
  }
  func.func @transform_4(%arg0: i32) -> (i32, i32) {
    %c0_i32 = arith.constant 0 : i32
    %c0_i32_0 = arith.constant 0 : i32
    %c0_i32_1 = arith.constant 0 : i32
    return %c0_i32, %c0_i32_0 : i32, i32
  }
  func.func @transform_5(%arg0: i32) -> (i32, i32) {
    %c0_i32 = arith.constant 0 : i32
    %c0_i32_0 = arith.constant 0 : i32
    return %arg0, %c0_i32 : i32, i32
  }
}

</mosaic_0001>

<sc_bundles>
// kernel: kernel.11.cloned.1.call-start
scs
__scs_entry_jumppad:
0x0: {  	(pc) =	sbr.rel $0x88, $3  }
0x1: {  	(tag) =	ssettag $0x0;
	lr =	simm.s32 $0x1  }
0x2: {  	[smem:$0x3F99] =	sst lr;
	_ =	strace $0xD0000000  }
0x3: {  	_ = 	snop  }
0x4: {  	_ = 	snop  }
0x5: {  	_ = 	snop  }
0x6: {  	_ = 	snop  }
0x7: {  	_ = 	snop  }
__scs_overlays_trampoline_lowered:
0x8: {  	[smem:$0x3FA8] =	sst s0  }
0x9: {  	[smem:$0x3FA9] =	sst s1  }
0xa: {  	[smem:$0x3FAA] =	sst s2  }
0xb: {  	[smem:$0x3FAB] =	sst s3  }
0xc: {  	[smem:$0x3FAC] =	sst s4  }
0xd: {  	[smem:$0x3FAD] =	sst s5  }
0xe: {  	[smem:$0x3FAE] =	sst s6  }
0xf: {  	[smem:$0x3FAF] =	sst s7  }
0x10: {  	[smem:$0x3FB0] =	sst s8  }
0x11: {  	[smem:$0x3FB1] =	sst s9;
	s0 =	simm.s32 @!p0 $0x0  }
0x12: {  	s1 =	sld [smem:$0x3F97];
	s0 =	simm.s32 @p0 $0x1  }
0x13: {  	[smem:$0x3FB2] =	sst s0;
	s0 =	simm.s32 @!p1 $0x0  }
0x14: {  	s2 =	sld [smem:$0x3F96];
	s0 =	simm.s32 @p1 $0x1  }
0x15: {  	[smem:$0x3FB3] =	sst s0;
	s0 =	simm.s32 @!p2 $0x0  }
0x16: {  	s3 =	sld [smem:$0x3FDB];
	s0 =	simm.s32 @p2 $0x1  }
0x17: {  	s4 =	simm.s32 $0x1BF5;
	[smem:$0x3FB5] =	sst s0  }
0x18: {  	s0 =	sld [smem:$0x3F98];
	_ =	swait.ge [sflag:s4], $0x0  }
0x19: {  	s7 =	sld [smem:$0x3F99]  }
0x1a: {  	s8 =	sadd.s32 $0xFFFFE003, lr  }
0x1b: {  	s9 =	sadd.s32 $0xFFFFFEF7, lr;
	s5 =	simm.s32 $0xFFFFFFFF;
	p2 =	slt.u32 s8, $0xFFFFF086  }
0x1c: {  	p1 =	slt.u32 s9, $0xF7A;
	s5 =	simm.s32 @!p2 $0x0  }
0x1d: {  	s5 =	simm.s32 @p1 $0x1;
	p0 =	seq.s32 s7, s2  }
0x1e: {  	s7 =	smul.u32 @!p0 $0xF7A, s2;
	p2 =	seq.s32 @!p0 s5, $0x0  }
0x1f: {  	s9 =	smul.u32 $0xF7A, s1;
	s8 =	simm.s32 @!p0 $0x1BF5;
	p2 =	por !p2, p0  }
0x20: {  	[sflag:s8] =	ssyncset.s32 @!p0 $0xFFFFF086;
	s6 =	sadd.s32 @!p0 s3, s7;
	s7 =	simm.s32 @!p0 $0x108  }
0x21: {  	s3 =	sadd.s32 s3, s9;
	s6 =	sadd.s32 @!p0 $0x88, s6;
	s7 =	simm.s32 @p2 $0x1082  }
0x22: {  	[simem:s7], [sflag:s8] =	dma.local @!p0 [hbm:s6], $0xF7A  }
0x23: {  	s9 =	sor.u32 $0xD0000000, s2;
	s6 =	simm.s32 $0x108;
	_ =	swait.ge @!p0 [sflag:s8], $0x0  }
0x24: {  	s3 =	sadd.s32 $0x88, s3;
	s6 =	simm.s32 @!p1 $0x1082;
	[sflag:s4] =	ssyncset.s32 $0xFFFFF086  }
0x25: {  	[simem:s6], [sflag:s4] =	dma.local [hbm:s3], $0xF7A  }
0x26: {  	[smem:$0x3F99] =	sst s1;
	(tag) =	ssettag s2;
	_ =	strace s9  }
0x27: {  	s1 =	sld [smem:$0x3FA9]  }
0x28: {  	s2 =	sld [smem:$0x3FAA]  }
0x29: {  	s4 =	sld [smem:$0x3FAC]  }
0x2a: {  	p0 =	seq.s32 s5, $0x0;
	s5 =	sld [smem:$0x3FAD]  }
0x2b: {  	s6 =	sld [smem:$0x3FAE]  }
0x2c: {  	s7 =	sld [smem:$0x3FAF]  }
0x2d: {  	s3 =	simm.s32 $0x108;
	s8 =	sld [smem:$0x3FB0]  }
0x2e: {  	s3 =	simm.s32 @!p0 $0x1082;
	s9 =	sld [smem:$0x3FB1]  }
0x2f: {  	lr =	sadd.s32 s0, s3;
	s0 =	sld [smem:$0x3FA8]  }
0x30: {  	s3 =	sld [smem:$0x3FAB]  }
0x31: {  	[smem:$0x3FB4] =	sst s10  }
0x32: {  	s10 =	sld [smem:$0x3FB2];
	_ =	sdelay $0x3  }
0x33: {  	p0 =	seq.s32 s10, $0x1;
	s10 =	sld [smem:$0x3FB4];
	_ =	sdelay $0x3  }
0x34: {  	[smem:$0x3FB4] =	sst s10  }
0x35: {  	s10 =	sld [smem:$0x3FB3];
	_ =	sdelay $0x3  }
0x36: {  	p1 =	seq.s32 s10, $0x1;
	s10 =	sld [smem:$0x3FB4];
	_ =	sdelay $0x3  }
0x37: {  	[smem:$0x3FB4] =	sst s10  }
0x38: {  	s10 =	sld [smem:$0x3FB5]  }
0x39: {  	_ = 	snop;
	(pc) =	sbr.ind lr, $3  }
0x3a: {  	_ = 	snop  }
0x3b: {  	_ = 	snop  }
0x3c: {  	p2 =	seq.s32 s10, $0x1;
	s10 =	sld [smem:$0x3FB4]  }
0x3d: {  	_ =	shalt  }
0x3e: {  	_ =	shalt  }
0x3f: {  	_ =	shalt  }
0x40: {  	_ =	shalt  }
0x41: {  	_ =	shalt  }
0x42: {  	_ =	shalt  }
0x43: {  	_ =	shalt  }
0x44: {  	_ =	shalt  }
0x45: {  	_ =	shalt  }
0x46: {  	_ =	shalt  }
0x47: {  	_ =	shalt  }
0x48: {  	_ =	shalt  }
0x49: {  	_ =	shalt  }
0x4a: {  	_ =	shalt  }
0x4b: {  	_ =	shalt  }
0x4c: {  	_ =	shalt  }
0x4d: {  	_ =	shalt  }
0x4e: {  	_ =	shalt  }
0x4f: {  	_ =	shalt  }
0x50: {  	_ =	shalt  }
0x51: {  	_ =	shalt  }
0x52: {  	_ =	shalt  }
0x53: {  	_ =	shalt  }
0x54: {  	_ =	shalt  }
0x55: {  	_ =	shalt  }
0x56: {  	_ =	shalt  }
0x57: {  	_ =	shalt  }
0x58: {  	_ =	shalt  }
0x59: {  	_ =	shalt  }
0x5a: {  	_ =	shalt  }
0x5b: {  	_ =	shalt  }
0x5c: {  	_ =	shalt  }
0x5d: {  	_ =	shalt  }
0x5e: {  	_ =	shalt  }
0x5f: {  	_ =	shalt  }
0x60: {  	_ =	shalt  }
0x61: {  	_ =	shalt  }
0x62: {  	_ =	shalt  }
0x63: {  	_ =	shalt  }
0x64: {  	_ =	shalt  }
0x65: {  	_ =	shalt  }
0x66: {  	_ =	shalt  }
0x67: {  	_ =	shalt  }
0x68: {  	_ =	shalt  }
0x69: {  	_ =	shalt  }
0x6a: {  	_ =	shalt  }
0x6b: {  	_ =	shalt  }
0x6c: {  	_ =	shalt  }
0x6d: {  	_ =	shalt  }
0x6e: {  	_ =	shalt  }
0x6f: {  	_ =	shalt  }
0x70: {  	_ =	shalt  }
0x71: {  	_ =	shalt  }
0x72: {  	_ =	shalt  }
0x73: {  	_ =	shalt  }
0x74: {  	_ =	shalt  }
0x75: {  	_ =	shalt  }
0x76: {  	_ =	shalt  }
0x77: {  	_ =	shalt  }
0x78: {  	_ =	shalt  }
0x79: {  	_ =	shalt  }
0x7a: {  	_ =	shalt  }
0x7b: {  	_ =	shalt  }
0x7c: {  	_ =	shalt  }
0x7d: {  	_ =	shalt  }
0x7e: {  	_ =	shalt  }
0x7f: {  	_ =	shalt  }
0x80: {  	_ =	shalt  }
0x81: {  	_ =	shalt  }
0x82: {  	_ =	shalt  }
0x83: {  	_ =	shalt  }
0x84: {  	_ =	shalt  }
0x85: {  	_ =	shalt  }
0x86: {  	_ =	shalt  }
0x87: {  	_ =	shalt  }
.Lfunc_end0:
.L_simem_size_0:
called_computation.1_lowered:
.L_overlay_start_0:
0x88: {  	s2 =	sld [smem:$0x3FD9]  }
0x89: {  	s3 =	sld [smem:$0x3FFE];
	_ =	sdelay $0x1  }
0x8a: {  	s1 =	srdreg.scid  }
0x8b: {  	s0 =	sand.u32 $0x1, s1  }
0x8c: {  	s17 =	sshll.u32 s0, $0xA;
	s2 =	sadd.s32 s3, s2  }
0x8d: {  	s2 =	sadd.s32 s2, s17  }
0x8e: {  	[smem:$0x3FC0] =	sst s2  }
0x8f: {  	_ = 	snop  }
0x90: {  	s2 =	sld [smem:$0x3FD0];
	(tm) =	ssettm $0x1  }
0x91: {  	s18 =	sld [smem:$0x3FFB];
	_ =	sdelay $0x3  }
0x92: {  	_ =	strace s18  }
0x93: {  	s3 =	sld [smem:$0x3FFC];
	_ =	sdelay $0x3  }
0x94: {  	_ =	strace s3  }
0x95: {  	s3 =	sld [smem:$0x3FFD];
	_ =	sdelay $0x3  }
0x96: {  	_ =	strace s3  }
0x97: {  	_ =	strace $0x8FFFFFFF  }
0x98: {  	s19 =	sld [smem:$0x3FDB];
	_ =	sdelay $0x1  }
0x99: {  	s4 =	simm.s32 $_scs_section_size  }
0x9a: {  	s5 =	simm.s32 $_size__tile_overlayer_lowered;
	s6 =	simm.s32 $_tile_overlayer_lowered  }
0x9b: {  	s22 =	simm.s32 $0x1BFF;
	s21 =	sshll.u32 s6, $0x1;
	s3 =	sadd.s32 s4, s19  }
0x9c: {  	s7 =	simm.s32 $0x0;
	s20 =	sshll.u32 s5, $0x1;
	s5 =	sadd.s32 s21, s3  }
0x9d: {  	[timem:s7], [sflag:s22] =	dma.local [hbm:s5], s20  }
0x9e: {  	_ =	swait.ge [sflag:s22], s20  }
0x9f: {  	s4 =	ssub.s32 $0x0, s20;
	[sflag:s22] =	ssyncset.done $0x0  }
0xa0: {  	[sflag:s22] =	ssyncadd.s32 s4;
	_ =	sdelay $0x1  }
0xa1: {  	s23 =	simm.s32 $0x1B8B  }
0xa2: {  	_ =	swait.ge [sflag:s23], $0x1  }
0xa3: {  	[sflag:s23] =	ssyncset.done $0x0  }
0xa4: {  	s25 =	simm.s32 $0x1B8E;
	s24 =	sld [smem:$0x3FFE];
	[sflag:s23] =	ssyncadd.s32 $0xFFFFFFFF  }
0xa5: {  	s26 =	simm.s32 $execute0_lowered;
	[smem:$0x3FD2] =	sst s25  }
0xa6: {  	s5 =	sshll.u32 s26, $0x1;
	_ =	strace $0x80000049;
	[dreg:$0x1] =	wrdreg $0xFFFFFFFF  }
0xa7: {  	s28 =	simm.s32 $_size_execute0_lowered;
	s3 =	sadd.s32 s3, s5;
	[dreg:$0x0] =	wrdreg $0x0  }
0xa8: {  	s5 =	sshll.u32 s28, $0x1;
	[dreg:$0x2] =	wrdreg s3  }
0xa9: {  	[dreg:$0x3] =	wrdreg s5  }
0xaa: {  	[dreg:$0x4] =	wrdreg $0xC0  }
0xab: {  	_ =	task [dreg:s7], $0x5FFFF  }
0xac: {  	[dreg:$0x1] =	wrdreg $0xFFFFFFFF  }
0xad: {  	[dreg:$0x0] =	wrdreg $0x60  }
0xae: {  	[dreg:$0x2] =	wrdreg s24  }
0xaf: {  	[dreg:$0x3] =	wrdreg s2  }
0xb0: {  	[dreg:$0x4] =	wrdreg $0x68000  }
0xb1: {  	[dreg:$0x5] =	wrdreg $0x9  }
0xb2: {  	_ =	task.clear_ibuf [dreg:s7], $0x6FFFF;
	_ =	strace $0x90000049  }
0xb3: {  	s29 =	simm.s32 $0x9;
	_ =	strace $0x8000004B  }
0xb4: {  	_ =	swait.ge [sflag:s29], $0x1  }
0xb5: {  	[sflag:s29] =	ssyncadd.s32 $0xFFFFFFFF  }
0xb6: {  	_ =	strace $0x9000004B  }
0xb7: {  	_ =	sfence  }
0xb8: {  	s30 =	sld [smem:$0x0];
	_ =	sdelay $0x2  }
0xb9: {  	s31 =	sshll.u32 s1, $0xD;
	s1 =	sshrl.u32 s1, $0x2  }
0xba: {  	s3 =	sand.u32 $0x4000, s31;
	s1 =	sadd.s32 s1, s30  }
0xbb: {  	s0 =	sor.u32 s3, s0;
	s1 =	sshll.u32 s1, $0x11  }
0xbc: {  	s0 =	sor.u32 s1, s0  }
0xbd: {  	s0 =	sadd.s32 $0x8F2B, s0  }
0xbe: {  	[sflag:s0] =	ssyncadd.remote.s32 $0x1  }
0xbf: {  	_ =	sfence.sel $0xFFFF  }
0xc0: {  	[dreg:$0x0] =	wrdreg $0xFFFFFFFF;
	(pc) =	sbr.abs _section_cstart, $3  }
0xc1: {  	[dreg:$0x1] =	wrdreg $0xFFFFFFFF  }
0xc2: {  	_ =	task.clear_ibuf [dreg:s7], $0x2FFFF;
	_ =	strace $0x9FFFFFFF  }
0xc3: {  	(tm) =	ssettm $0x7FFFFFFF  }
tec
execute0_lowered:
.L_overlay_start_1:
0x0: {  	(tag) =	ssettag $0x1  }
0x1: {  	s5 =	rddreg [dreg:$0x0]  }
0x2: {  	s11 =	rddreg [dreg:$0x1]  }
0x3: {  	s1 =	rddreg [dreg:$0x2]  }
0x4: {  	s0 =	rddreg [dreg:$0x3]  }
0x5: {  	s2 =	simm.s32 $0x0;
	s6 =	srdreg.scid;
	s3 =	stileid.u32  }
0x6: {  	s18 =	simm.s32 $0x1;
	s19 =	simm.s32 $0x2;
	s20 =	simm.s32 $0x0  }
0x7: {  	[smem:$0x7FF] =	sst s2;
	s4 =	sadd.s32 $0x56CC00, s5;
	s9 =	smul.u32 $0x500, s3  }
0x8: {  	s7 =	sadd.s32 $0x10800, s5;
	s6 =	sand.u32 $0x1, s6;
	s13 =	smul.u32 $0x2800, s3  }
0x9: {  	s10 =	sadd.s32 $0xB800, s5;
	s12 =	sadd.s32 $0x6800, s5;
	s29 =	smul.u32 $0x1F400, s3  }
0xa: {  	s17 =	smul.u32 $0x7D000, s3;
	p1 =	sgt.u32 s3, $0x9;
	_ =	strace $0x8000004A  }
0xb: {  	s8 =	ssub.s32 $0x2, s6;
	p0 =	seq.s32 s6, $0x1;
	s15 =	smul.u32 $0x138800, s6  }
0xc: {  	s26 =	sshrl.u32 s8, $0x1;
	s5 =	sadd.s32 s7, s9;
	s28 =	sshrl.u32 s13, $0x3  }
0xd: {  	s6 =	sadd.s32 s12, s9;
	s9 =	sadd.s32 s10, s9;
	s31 =	sshrl.u32 s17, $0x2  }
.Ltmp0:
0xe: {  	s17 =	simm.s32 $0x7D;
	s14 =	ssub.s32 s8, s26;
	(pc) =	sbr.rel .LBB2_1-.Ltmp0, $4  }
0xf: {  	s16 =	sadd.s32 $0x280, s28;
	s30 =	sadd.s32 s29, s15;
	s15 =	simm.s32 $0x3  }
0x10: {  	s7 =	sadd.s32 s7, s16;
	s8 =	sadd.s32 s12, s16;
	s12 =	sshrl.u32 s30, $0x3  }
0x11: {  	s10 =	sadd.s32 s10, s16;
	s13 =	smax.u32 s14, $0x1;
	s14 =	simm.s32 $0x2800  }
0x12: {  	v0 =	vimm.f32 $0.0e+00;
	s16 =	simm.s32 $0x1400;
	s11 =	sadd.s32 s11, s12;
	s12 =	sadd.s32 s31, s1  }
.LBB2_12:
0x13: {  	s21 =	sshra.s32 s21, $0x2;
	[sflag:s19] =	ssyncadd.s32 $0xFFFFC180  }
0x14: {  	[tilespmem:s14], [sflag:$0x1] =	stream.indirect.gather [hbm4b:s4+s17], $0x80, s21, s17, $0xb8;
	[tilespmem:$0x1A080] =	vst v63  }
0x15: {  	_ =	swait.ge [sflag:s18], $0x3E80  }
0x16: {  	[sflag:s18] =	ssyncset.done $0x0  }
0x17: {  	s21 =	sadd.s32 $0x1400, s21;
	[sflag:s18] =	ssyncadd.s32 $0xFFFFC180  }
0x18: {  	[spmem:s1] =	stream.indirect.scatter.add.f32 [tilespmem:s14], [sflag:$0x2], $0x80, s21, s17, $0xb8;
	[tilespmem:$0x1A080] =	vst v63  }
0x19: {  	_ =	swait.ge [sflag:s19], $0x3E80  }
0x1a: {  	[sflag:s19] =	ssyncset.done $0x0  }
0x1b: {  	[sflag:s19] =	ssyncadd.s32 $0xFFFFC180  }
.LBB2_18:
0x1c: {  	s21 =	sshll.u32 @!p1 s3, $0x6;
	[bflag:$0x0] =	sbarrier.arrive $0xFFFF;
	s20 =	sadd.s32 $0x1, s20  }
0x1d: {  	s22 =	sshrl.u32 @!p1 s12, $0x3;
	s21 =	sor.u32 @!p1 $0x1C03, s21;
	p2 =	sne.s32 s20, s13  }
0x1e: {  	[hbm:s11], [sflag:s21] =	dma.local @!p1 [spmem:s22], $0x3E80  }
.Ltmp1:
0x1f: {  	_ = 	snop;
	(pc) =	sbr.rel @!p2 .LBB2_19-.Ltmp1, $4  }
0x20: {  	s21 =	simm.s32 @!p1 $0x3  }
0x21: {  	_ =	swait.ge @!p1 [sflag:s21], $0x3E80  }
0x22: {  	[sflag:s21] =	ssyncset.done @!p1 $0x0  }
0x23: {  	[sflag:s21] =	ssyncadd.s32 @!p1 $0xFFFFC180  }
.LBB2_1:
0x24: {  	s21 =	sand.u32 $0xFE00, s2  }
0x25: {  	s22 =	sand.u32 $0x70, s2;
	s23 =	sshrl.u32 s21, $0x2  }
0x26: {  	s21 =	simm.s32 $0x40;
	s23 =	sor.u32 s22, s23;
	s22 =	simm.s32 $0x0  }
.LBB2_2:
0x27: {  	p2 =	sne.s32 s21, $0xF9C0  }
0x28: {  	[tilespmem:s23+$0x2800] =	vst v0;
	s22 =	sadd.s32 $0x10, s22;
	s23 =	smov.u32 s21;
	s21 =	sadd.s32 $0x40, s21  }
.Ltmp2:
0x29: {  	(pc) =	sbr.rel @p2 .LBB2_2-.Ltmp2, $4  }
0x2a: {  	_ = 	snop  }
0x2b: {  	s23 =	sand.u32 $0xFE00, s23  }
0x2c: {  	s24 =	sand.u32 $0x70, s22;
	s23 =	sshrl.u32 s23, $0x2  }
0x2d: {  	s23 =	sor.u32 s24, s23  }
.Ltmp3:
0x2e: {  	(pc) =	sbr.rel @p1 .LBB2_7-.Ltmp3, $2  }
0x2f: {  	_ =	sdelay $0x2  }
0x30: {  	[tilespmem:s23+$0x2800] =	vst v0  }
0x31: {  	s21 =	sadd.s32 $0x0, s12  }
0x32: {  	[spmem:s21] =	stream.linear.scatter [tilespmem:s14], [sflag:$0x3], $0x1400, $0x38;
	[tilespmem:$0x1A080] =	vst v63  }
0x33: {  	s21 =	simm.s32 $0x5000;
	_ =	swait.ge [sflag:s15], $0x1400  }
.LBB2_5:
0x34: {  	s22 =	sshra.s32 s21, $0x2;
	[sflag:s15] =	ssyncset.done $0x0;
	p2 =	sne.s32 s21, $0x78000  }
.Ltmp4:
0x35: {  	s22 =	sadd.s32 s22, s12;
	[sflag:s15] =	ssyncadd.s32 $0xFFFFEC00;
	(pc) =	sbr.rel @p2 .LBB2_5-.Ltmp4, $3  }
0x36: {  	[spmem:s22] =	stream.linear.scatter [tilespmem:s14], [sflag:$0x3], $0x1400, $0x38;
	[tilespmem:$0x1A080] =	vst v63  }
0x37: {  	s21 =	sadd.s32 $0x5000, s21;
	_ =	sdelay $0x1  }
0x38: {  	_ =	swait.ge [sflag:s15], $0x1400  }
0x39: {  	[sflag:s15] =	ssyncset.done $0x0  }
0x3a: {  	[sflag:s15] =	ssyncadd.s32 $0xFFFFEC00  }
.LBB2_7:
.Ltmp5:
0x3b: {  	(pc) =	sbr.rel @!p0 .LBB2_8-.Ltmp5, $3  }
0x3c: {  	_ =	sdelay $0x1  }
0x3d: {  	[bflag:$0x0] =	sbarrier.arrive $0xFFFF  }
0x3e: {  	s21 =	simm.s32 $0x0  }
0x3f: {  	[tilespmem:s21], [sflag:$0x3] =	stream.linear.gather [hbm4b:s9+s21], $0x1400, $0x38;
	[tilespmem:$0x1A080] =	vst v63  }
0x40: {  	_ =	swait.ge [sflag:s15], $0x1400  }
0x41: {  	[sflag:s15] =	ssyncset.done $0x0  }
0x42: {  	[sflag:s15] =	ssyncadd.s32 $0xFFFFEC00  }
0x43: {  	[tilespmem:s16], [sflag:$0x3] =	stream.linear.gather [hbm4b:s6+s21], $0x1400, $0x38;
	[tilespmem:$0x1A080] =	vst v63  }
0x44: {  	_ =	swait.ge [sflag:s15], $0x1400  }
0x45: {  	[sflag:s15] =	ssyncset.done $0x0  }
0x46: {  	s30 =	simm.s32 $0x0;
	[sflag:s15] =	ssyncadd.s32 $0xFFFFEC00  }
0x47: {  	[tilespmem:s14], [sflag:$0x1] =	stream.indirect.gather [hbm4b:s4+s17], $0x80, s30, s17, $0xb8;
	[tilespmem:$0x1A080] =	vst v63  }
0x48: {  	_ =	swait.ge [sflag:s18], $0x3E80  }
0x49: {  	[sflag:s18] =	ssyncset.done $0x0  }
0x4a: {  	s31 =	simm.s32 $0x1400;
	[sflag:s18] =	ssyncadd.s32 $0xFFFFC180  }
0x4b: {  	[spmem:s1] =	stream.indirect.scatter.add.f32 [tilespmem:s14], [sflag:$0x2], $0x80, s31, s17, $0xb8;
	[tilespmem:$0x1A080] =	vst v63  }
0x4c: {  	_ =	swait.ge [sflag:s19], $0x3E80  }
0x4d: {  	s22 =	simm.s32 $0x400;
	s21 =	simm.s32 $0x200;
	[sflag:s19] =	ssyncset.done $0x0  }
.LBB2_14:
0x4e: {  	s23 =	sshra.s32 s21, $0x2  }
0x4f: {  	[sflag:s19] =	ssyncadd.s32 $0xFFFFC180;
	s21 =	smov.u32 s22;
	s24 =	sadd.s32 $0x200, s22  }
0x50: {  	[tilespmem:s14], [sflag:$0x1] =	stream.indirect.gather [hbm4b:s4+s17], $0x80, s23, s17, $0xb8;
	[tilespmem:$0x1A080] =	vst v63  }
0x51: {  	p2 =	sne.s32 s22, $0x4E00;
	_ =	swait.ge [sflag:s18], $0x3E80  }
.Ltmp6:
0x52: {  	[sflag:s18] =	ssyncset.done $0x0;
	(pc) =	sbr.rel @p2 .LBB2_14-.Ltmp6, $4  }
0x53: {  	s22 =	sadd.s32 $0x1400, s23;
	[sflag:s18] =	ssyncadd.s32 $0xFFFFC180  }
0x54: {  	[spmem:s1] =	stream.indirect.scatter.add.f32 [tilespmem:s14], [sflag:$0x2], $0x80, s22, s17, $0xb8;
	[tilespmem:$0x1A080] =	vst v63  }
0x55: {  	_ =	swait.ge [sflag:s19], $0x3E80  }
0x56: {  	s22 =	smov.u32 s24;
	[sflag:s19] =	ssyncset.done $0x0  }
0x57: {  	s21 =	sshra.s32 s21, $0x2;
	[sflag:s19] =	ssyncadd.s32 $0xFFFFC180  }
0x58: {  	[tilespmem:s14], [sflag:$0x1] =	stream.indirect.gather [hbm4b:s4+s17], $0x80, s21, s17, $0xb8;
	[tilespmem:$0x1A080] =	vst v63  }
0x59: {  	_ =	swait.ge [sflag:s18], $0x3E80  }
0x5a: {  	[sflag:s18] =	ssyncset.done $0x0  }
0x5b: {  	s21 =	sadd.s32 $0x1400, s21;
	[sflag:s18] =	ssyncadd.s32 $0xFFFFC180  }
0x5c: {  	[spmem:s1] =	stream.indirect.scatter.add.f32 [tilespmem:s14], [sflag:$0x2], $0x80, s21, s17, $0xb8;
	[tilespmem:$0x1A080] =	vst v63  }
0x5d: {  	_ =	swait.ge [sflag:s19], $0x3E80  }
0x5e: {  	[sflag:s19] =	ssyncset.done $0x0  }
0x5f: {  	s29 =	simm.s32 $0x0;
	[sflag:s19] =	ssyncadd.s32 $0xFFFFC180  }
0x60: {  	[tilespmem:s29], [sflag:$0x3] =	stream.linear.gather [hbm4b:s10+s29], $0x1400, $0x38;
	[tilespmem:$0x1A080] =	vst v63  }
0x61: {  	_ =	swait.ge [sflag:s15], $0x1400  }
0x62: {  	[sflag:s15] =	ssyncset.done $0x0  }
0x63: {  	[sflag:s15] =	ssyncadd.s32 $0xFFFFEC00  }
0x64: {  	[tilespmem:s16], [sflag:$0x3] =	stream.linear.gather [hbm4b:s8+s29], $0x1400, $0x38;
	[tilespmem:$0x1A080] =	vst v63  }
0x65: {  	_ =	swait.ge [sflag:s15], $0x1400  }
0x66: {  	[sflag:s15] =	ssyncset.done $0x0  }
0x67: {  	s30 =	simm.s32 $0x0;
	[sflag:s15] =	ssyncadd.s32 $0xFFFFEC00  }
0x68: {  	[tilespmem:s14], [sflag:$0x1] =	stream.indirect.gather [hbm4b:s4+s17], $0x80, s30, s17, $0xb8;
	[tilespmem:$0x1A080] =	vst v63  }
0x69: {  	_ =	swait.ge [sflag:s18], $0x3E80  }
0x6a: {  	[sflag:s18] =	ssyncset.done $0x0  }
0x6b: {  	s31 =	simm.s32 $0x1400;
	[sflag:s18] =	ssyncadd.s32 $0xFFFFC180  }
0x6c: {  	[spmem:s1] =	stream.indirect.scatter.add.f32 [tilespmem:s14], [sflag:$0x2], $0x80, s31, s17, $0xb8;
	[tilespmem:$0x1A080] =	vst v63  }
0x6d: {  	_ =	swait.ge [sflag:s19], $0x3E80  }
0x6e: {  	s22 =	simm.s32 $0x400;
	s21 =	simm.s32 $0x200;
	[sflag:s19] =	ssyncset.done $0x0  }
.LBB2_16:
0x6f: {  	s23 =	sshra.s32 s21, $0x2  }
0x70: {  	[sflag:s19] =	ssyncadd.s32 $0xFFFFC180;
	s21 =	smov.u32 s22;
	s24 =	sadd.s32 $0x200, s22  }
0x71: {  	[tilespmem:s14], [sflag:$0x1] =	stream.indirect.gather [hbm4b:s4+s17], $0x80, s23, s17, $0xb8;
	[tilespmem:$0x1A080] =	vst v63  }
0x72: {  	p2 =	sne.s32 s22, $0x4E00;
	_ =	swait.ge [sflag:s18], $0x3E80  }
.Ltmp7:
0x73: {  	[sflag:s18] =	ssyncset.done $0x0;
	(pc) =	sbr.rel @p2 .LBB2_16-.Ltmp7, $4  }
0x74: {  	s22 =	sadd.s32 $0x1400, s23;
	[sflag:s18] =	ssyncadd.s32 $0xFFFFC180  }
0x75: {  	[spmem:s1] =	stream.indirect.scatter.add.f32 [tilespmem:s14], [sflag:$0x2], $0x80, s22, s17, $0xb8;
	[tilespmem:$0x1A080] =	vst v63  }
0x76: {  	_ =	swait.ge [sflag:s19], $0x3E80  }
0x77: {  	s22 =	smov.u32 s24;
	[sflag:s19] =	ssyncset.done $0x0  }
0x78: {  	s21 =	sshra.s32 s21, $0x2;
	[sflag:s19] =	ssyncadd.s32 $0xFFFFC180  }
0x79: {  	[tilespmem:s14], [sflag:$0x1] =	stream.indirect.gather [hbm4b:s4+s17], $0x80, s21, s17, $0xb8;
	[tilespmem:$0x1A080] =	vst v63  }
0x7a: {  	_ =	swait.ge [sflag:s18], $0x3E80  }
0x7b: {  	[sflag:s18] =	ssyncset.done $0x0  }
.Ltmp8:
0x7c: {  	s21 =	sadd.s32 $0x1400, s21;
	[sflag:s18] =	ssyncadd.s32 $0xFFFFC180;
	(pc) =	sbr.rel .LBB2_18-.Ltmp8, $4  }
0x7d: {  	[spmem:s1] =	stream.indirect.scatter.add.f32 [tilespmem:s14], [sflag:$0x2], $0x80, s21, s17, $0xb8;
	[tilespmem:$0x1A080] =	vst v63  }
0x7e: {  	_ =	swait.ge [sflag:s19], $0x3E80  }
0x7f: {  	[sflag:s19] =	ssyncset.done $0x0  }
0x80: {  	[sflag:s19] =	ssyncadd.s32 $0xFFFFC180  }
.LBB2_8:
0x81: {  	[tilespmem:s21], [sflag:$0x3] =	stream.linear.gather [hbm4b:s5+s21], $0x1400, $0x38;
	[tilespmem:$0x1A080] =	vst v63  }
0x82: {  	_ =	swait.ge [sflag:s15], $0x1400  }
0x83: {  	[sflag:s15] =	ssyncset.done $0x0  }
0x84: {  	[sflag:s15] =	ssyncadd.s32 $0xFFFFEC00  }
0x85: {  	[tilespmem:s16], [sflag:$0x3] =	stream.linear.gather [hbm4b:s6+s21], $0x1400, $0x38;
	[tilespmem:$0x1A080] =	vst v63  }
0x86: {  	_ =	swait.ge [sflag:s15], $0x1400  }
0x87: {  	[sflag:s15] =	ssyncset.done $0x0  }
0x88: {  	s30 =	simm.s32 $0x0;
	[sflag:s15] =	ssyncadd.s32 $0xFFFFEC00  }
0x89: {  	[tilespmem:s14], [sflag:$0x1] =	stream.indirect.gather [hbm4b:s4+s17], $0x80, s30, s17, $0xb8;
	[tilespmem:$0x1A080] =	vst v63  }
0x8a: {  	_ =	swait.ge [sflag:s18], $0x3E80  }
0x8b: {  	[sflag:s18] =	ssyncset.done $0x0  }
0x8c: {  	s31 =	simm.s32 $0x1400;
	[sflag:s18] =	ssyncadd.s32 $0xFFFFC180  }
0x8d: {  	[spmem:s1] =	stream.indirect.scatter.add.f32 [tilespmem:s14], [sflag:$0x2], $0x80, s31, s17, $0xb8;
	[tilespmem:$0x1A080] =	vst v63  }
0x8e: {  	_ =	swait.ge [sflag:s19], $0x3E80  }
0x8f: {  	s22 =	simm.s32 $0x400;
	s21 =	simm.s32 $0x200;
	[sflag:s19] =	ssyncset.done $0x0  }
.LBB2_9:
0x90: {  	s23 =	sshra.s32 s21, $0x2  }
0x91: {  	[sflag:s19] =	ssyncadd.s32 $0xFFFFC180;
	s21 =	smov.u32 s22;
	s24 =	sadd.s32 $0x200, s22  }
0x92: {  	[tilespmem:s14], [sflag:$0x1] =	stream.indirect.gather [hbm4b:s4+s17], $0x80, s23, s17, $0xb8;
	[tilespmem:$0x1A080] =	vst v63  }
0x93: {  	p2 =	sne.s32 s22, $0x4E00;
	_ =	swait.ge [sflag:s18], $0x3E80  }
.Ltmp9:
0x94: {  	[sflag:s18] =	ssyncset.done $0x0;
	(pc) =	sbr.rel @p2 .LBB2_9-.Ltmp9, $4  }
0x95: {  	s22 =	sadd.s32 $0x1400, s23;
	[sflag:s18] =	ssyncadd.s32 $0xFFFFC180  }
0x96: {  	[spmem:s1] =	stream.indirect.scatter.add.f32 [tilespmem:s14], [sflag:$0x2], $0x80, s22, s17, $0xb8;
	[tilespmem:$0x1A080] =	vst v63  }
0x97: {  	_ =	swait.ge [sflag:s19], $0x3E80  }
0x98: {  	s22 =	smov.u32 s24;
	[sflag:s19] =	ssyncset.done $0x0  }
0x99: {  	s21 =	sshra.s32 s21, $0x2;
	[sflag:s19] =	ssyncadd.s32 $0xFFFFC180  }
0x9a: {  	[tilespmem:s14], [sflag:$0x1] =	stream.indirect.gather [hbm4b:s4+s17], $0x80, s21, s17, $0xb8;
	[tilespmem:$0x1A080] =	vst v63  }
0x9b: {  	_ =	swait.ge [sflag:s18], $0x3E80  }
0x9c: {  	[sflag:s18] =	ssyncset.done $0x0  }
0x9d: {  	s21 =	sadd.s32 $0x1400, s21;
	[sflag:s18] =	ssyncadd.s32 $0xFFFFC180  }
0x9e: {  	[spmem:s1] =	stream.indirect.scatter.add.f32 [tilespmem:s14], [sflag:$0x2], $0x80, s21, s17, $0xb8;
	[tilespmem:$0x1A080] =	vst v63  }
0x9f: {  	_ =	swait.ge [sflag:s19], $0x3E80  }
0xa0: {  	[sflag:s19] =	ssyncset.done $0x0  }
0xa1: {  	s29 =	simm.s32 $0x0;
	[sflag:s19] =	ssyncadd.s32 $0xFFFFC180  }
0xa2: {  	[tilespmem:s29], [sflag:$0x3] =	stream.linear.gather [hbm4b:s7+s29], $0x1400, $0x38;
	[tilespmem:$0x1A080] =	vst v63  }
0xa3: {  	_ =	swait.ge [sflag:s15], $0x1400  }
0xa4: {  	[sflag:s15] =	ssyncset.done $0x0  }
0xa5: {  	[sflag:s15] =	ssyncadd.s32 $0xFFFFEC00  }
0xa6: {  	[tilespmem:s16], [sflag:$0x3] =	stream.linear.gather [hbm4b:s8+s29], $0x1400, $0x38;
	[tilespmem:$0x1A080] =	vst v63  }
0xa7: {  	_ =	swait.ge [sflag:s15], $0x1400  }
0xa8: {  	[sflag:s15] =	ssyncset.done $0x0  }
0xa9: {  	s30 =	simm.s32 $0x0;
	[sflag:s15] =	ssyncadd.s32 $0xFFFFEC00  }
0xaa: {  	[tilespmem:s14], [sflag:$0x1] =	stream.indirect.gather [hbm4b:s4+s17], $0x80, s30, s17, $0xb8;
	[tilespmem:$0x1A080] =	vst v63  }
0xab: {  	_ =	swait.ge [sflag:s18], $0x3E80  }
0xac: {  	[sflag:s18] =	ssyncset.done $0x0  }
0xad: {  	s31 =	simm.s32 $0x1400;
	[sflag:s18] =	ssyncadd.s32 $0xFFFFC180  }
0xae: {  	[spmem:s1] =	stream.indirect.scatter.add.f32 [tilespmem:s14], [sflag:$0x2], $0x80, s31, s17, $0xb8;
	[tilespmem:$0x1A080] =	vst v63  }
0xaf: {  	_ =	swait.ge [sflag:s19], $0x3E80  }
0xb0: {  	s22 =	simm.s32 $0x400;
	s21 =	simm.s32 $0x200;
	[sflag:s19] =	ssyncset.done $0x0  }
.LBB2_11:
0xb1: {  	s23 =	sshra.s32 s21, $0x2  }
0xb2: {  	[sflag:s19] =	ssyncadd.s32 $0xFFFFC180;
	s21 =	smov.u32 s22;
	s24 =	sadd.s32 $0x200, s22  }
0xb3: {  	[tilespmem:s14], [sflag:$0x1] =	stream.indirect.gather [hbm4b:s4+s17], $0x80, s23, s17, $0xb8;
	[tilespmem:$0x1A080] =	vst v63  }
0xb4: {  	p2 =	seq.s32 s22, $0x4E00;
	_ =	swait.ge [sflag:s18], $0x3E80  }
.Ltmp10:
0xb5: {  	[sflag:s18] =	ssyncset.done $0x0;
	(pc) =	sbr.rel @!p2 .LBB2_11-.Ltmp10, $4  }
0xb6: {  	s22 =	sadd.s32 $0x1400, s23;
	[sflag:s18] =	ssyncadd.s32 $0xFFFFC180  }
0xb7: {  	[spmem:s1] =	stream.indirect.scatter.add.f32 [tilespmem:s14], [sflag:$0x2], $0x80, s22, s17, $0xb8;
	[tilespmem:$0x1A080] =	vst v63  }
0xb8: {  	_ =	swait.ge [sflag:s19], $0x3E80  }
0xb9: {  	s22 =	smov.u32 s24;
	[sflag:s19] =	ssyncset.done $0x0  }
.Ltmp11:
0xba: {  	_ = 	snop;
	(pc) =	sbr.rel .LBB2_12-.Ltmp11, $1  }
0xbb: {  	_ =	sdelay $0x3  }
.LBB2_19:
0xbc: {  	_ =	sfence.sel $0x180000  }
0xbd: {  	[bflag:$0x0] =	sbarrier.arrive $0xFFFF  }
0xbe: {  	p0 =	sne.s32 s3, $0x0;
	_ =	strace $0x9000004A  }
0xbf: {  	s0 =	sadd.s32 @!p0 $0x100000, s0;
	[bflag:$0x2] =	sbarrier.arrive $0xFFFF  }
0xc0: {  	[sflag:s0] =	ssyncadd.tile.s32 @!p0 $0x1;
	_ =	shalt  }
.Lfunc_end2:
_tile_overlayer_lowered:
.L_overlay_start_2:
0xc1: {  	(tag) =	ssettag $0x2  }
0xc2: {  	s0 =	rddreg [dreg:$0x0];
	s2 =	stileid.u32  }
0xc3: {  	s1 =	rddreg [dreg:$0x1];
	p0 =	sne.s32 s2, $0x0  }
0xc4: {  	s3 =	rddreg [dreg:$0x2];
	[bflag:$0x3] =	sbarrier.arrive $0xFFFF;
	s2 =	simm.s32 @!p0 $0x1C03  }
0xc5: {  	[timem:s3], [sflag:s2] =	dma.local @!p0 [hbm:s0], s1  }
0xc6: {  	s0 =	simm.s32 @!p0 $0x3  }
0xc7: {  	_ =	swait.ge @!p0 [sflag:s0], s1  }
0xc8: {  	s1 =	ssub.s32 @!p0 $0x0, s1;
	[sflag:s0] =	ssyncset.done @!p0 $0x0  }
0xc9: {  	[sflag:s0] =	ssyncadd.s32 @!p0 s1  }
0xca: {  	[bflag:$0x3] =	sbarrier.arrive $0xFFFF  }
0xcb: {  	_ =	shalt  }

// kernel: kernel.8.cloned.1.call-start
scs
__scs_entry_jumppad:
0x0: {  	(pc) =	sbr.rel $0x88, $3  }
0x1: {  	(tag) =	ssettag $0x0;
	lr =	simm.s32 $0x1  }
0x2: {  	[smem:$0x3F99] =	sst lr;
	_ =	strace $0xD0000000  }
0x3: {  	_ = 	snop  }
0x4: {  	_ = 	snop  }
0x5: {  	_ = 	snop  }
0x6: {  	_ = 	snop  }
0x7: {  	_ = 	snop  }
__scs_overlays_trampoline_lowered:
0x8: {  	[smem:$0x3FA8] =	sst s0  }
0x9: {  	[smem:$0x3FA9] =	sst s1  }
0xa: {  	[smem:$0x3FAA] =	sst s2  }
0xb: {  	[smem:$0x3FAB] =	sst s3  }
0xc: {  	[smem:$0x3FAC] =	sst s4  }
0xd: {  	[smem:$0x3FAD] =	sst s5  }
0xe: {  	[smem:$0x3FAE] =	sst s6  }
0xf: {  	[smem:$0x3FAF] =	sst s7  }
0x10: {  	[smem:$0x3FB0] =	sst s8  }
0x11: {  	[smem:$0x3FB1] =	sst s9;
	s0 =	simm.s32 @!p0 $0x0  }
0x12: {  	s1 =	sld [smem:$0x3F97];
	s0 =	simm.s32 @p0 $0x1  }
0x13: {  	[smem:$0x3FB2] =	sst s0;
	s0 =	simm.s32 @!p1 $0x0  }
0x14: {  	s2 =	sld [smem:$0x3F96];
	s0 =	simm.s32 @p1 $0x1  }
0x15: {  	[smem:$0x3FB3] =	sst s0;
	s0 =	simm.s32 @!p2 $0x0  }
0x16: {  	s3 =	sld [smem:$0x3FDB];
	s0 =	simm.s32 @p2 $0x1  }
0x17: {  	s4 =	simm.s32 $0x1BF5;
	[smem:$0x3FB5] =	sst s0  }
0x18: {  	s0 =	sld [smem:$0x3F98];
	_ =	swait.ge [sflag:s4], $0x0  }
0x19: {  	s7 =	sld [smem:$0x3F99]  }
0x1a: {  	s8 =	sadd.s32 $0xFFFFE003, lr  }
0x1b: {  	s9 =	sadd.s32 $0xFFFFFEF7, lr;
	s5 =	simm.s32 $0xFFFFFFFF;
	p2 =	slt.u32 s8, $0xFFFFF086  }
0x1c: {  	p1 =	slt.u32 s9, $0xF7A;
	s5 =	simm.s32 @!p2 $0x0  }
0x1d: {  	s5 =	simm.s32 @p1 $0x1;
	p0 =	seq.s32 s7, s2  }
0x1e: {  	s7 =	smul.u32 @!p0 $0xF7A, s2;
	p2 =	seq.s32 @!p0 s5, $0x0  }
0x1f: {  	s9 =	smul.u32 $0xF7A, s1;
	s8 =	simm.s32 @!p0 $0x1BF5;
	p2 =	por !p2, p0  }
0x20: {  	[sflag:s8] =	ssyncset.s32 @!p0 $0xFFFFF086;
	s6 =	sadd.s32 @!p0 s3, s7;
	s7 =	simm.s32 @!p0 $0x108  }
0x21: {  	s3 =	sadd.s32 s3, s9;
	s6 =	sadd.s32 @!p0 $0x88, s6;
	s7 =	simm.s32 @p2 $0x1082  }
0x22: {  	[simem:s7], [sflag:s8] =	dma.local @!p0 [hbm:s6], $0xF7A  }
0x23: {  	s9 =	sor.u32 $0xD0000000, s2;
	s6 =	simm.s32 $0x108;
	_ =	swait.ge @!p0 [sflag:s8], $0x0  }
0x24: {  	s3 =	sadd.s32 $0x88, s3;
	s6 =	simm.s32 @!p1 $0x1082;
	[sflag:s4] =	ssyncset.s32 $0xFFFFF086  }
0x25: {  	[simem:s6], [sflag:s4] =	dma.local [hbm:s3], $0xF7A  }
0x26: {  	[smem:$0x3F99] =	sst s1;
	(tag) =	ssettag s2;
	_ =	strace s9  }
0x27: {  	s1 =	sld [smem:$0x3FA9]  }
0x28: {  	s2 =	sld [smem:$0x3FAA]  }
0x29: {  	s4 =	sld [smem:$0x3FAC]  }
0x2a: {  	p0 =	seq.s32 s5, $0x0;
	s5 =	sld [smem:$0x3FAD]  }
0x2b: {  	s6 =	sld [smem:$0x3FAE]  }
0x2c: {  	s7 =	sld [smem:$0x3FAF]  }
0x2d: {  	s3 =	simm.s32 $0x108;
	s8 =	sld [smem:$0x3FB0]  }
0x2e: {  	s3 =	simm.s32 @!p0 $0x1082;
	s9 =	sld [smem:$0x3FB1]  }
0x2f: {  	lr =	sadd.s32 s0, s3;
	s0 =	sld [smem:$0x3FA8]  }
0x30: {  	s3 =	sld [smem:$0x3FAB]  }
0x31: {  	[smem:$0x3FB4] =	sst s10  }
0x32: {  	s10 =	sld [smem:$0x3FB2];
	_ =	sdelay $0x3  }
0x33: {  	p0 =	seq.s32 s10, $0x1;
	s10 =	sld [smem:$0x3FB4];
	_ =	sdelay $0x3  }
0x34: {  	[smem:$0x3FB4] =	sst s10  }
0x35: {  	s10 =	sld [smem:$0x3FB3];
	_ =	sdelay $0x3  }
0x36: {  	p1 =	seq.s32 s10, $0x1;
	s10 =	sld [smem:$0x3FB4];
	_ =	sdelay $0x3  }
0x37: {  	[smem:$0x3FB4] =	sst s10  }
0x38: {  	s10 =	sld [smem:$0x3FB5]  }
0x39: {  	_ = 	snop;
	(pc) =	sbr.ind lr, $3  }
0x3a: {  	_ = 	snop  }
0x3b: {  	_ = 	snop  }
0x3c: {  	p2 =	seq.s32 s10, $0x1;
	s10 =	sld [smem:$0x3FB4]  }
0x3d: {  	_ =	shalt  }
0x3e: {  	_ =	shalt  }
0x3f: {  	_ =	shalt  }
0x40: {  	_ =	shalt  }
0x41: {  	_ =	shalt  }
0x42: {  	_ =	shalt  }
0x43: {  	_ =	shalt  }
0x44: {  	_ =	shalt  }
0x45: {  	_ =	shalt  }
0x46: {  	_ =	shalt  }
0x47: {  	_ =	shalt  }
0x48: {  	_ =	shalt  }
0x49: {  	_ =	shalt  }
0x4a: {  	_ =	shalt  }
0x4b: {  	_ =	shalt  }
0x4c: {  	_ =	shalt  }
0x4d: {  	_ =	shalt  }
0x4e: {  	_ =	shalt  }
0x4f: {  	_ =	shalt  }
0x50: {  	_ =	shalt  }
0x51: {  	_ =	shalt  }
0x52: {  	_ =	shalt  }
0x53: {  	_ =	shalt  }
0x54: {  	_ =	shalt  }
0x55: {  	_ =	shalt  }
0x56: {  	_ =	shalt  }
0x57: {  	_ =	shalt  }
0x58: {  	_ =	shalt  }
0x59: {  	_ =	shalt  }
0x5a: {  	_ =	shalt  }
0x5b: {  	_ =	shalt  }
0x5c: {  	_ =	shalt  }
0x5d: {  	_ =	shalt  }
0x5e: {  	_ =	shalt  }
0x5f: {  	_ =	shalt  }
0x60: {  	_ =	shalt  }
0x61: {  	_ =	shalt  }
0x62: {  	_ =	shalt  }
0x63: {  	_ =	shalt  }
0x64: {  	_ =	shalt  }
0x65: {  	_ =	shalt  }
0x66: {  	_ =	shalt  }
0x67: {  	_ =	shalt  }
0x68: {  	_ =	shalt  }
0x69: {  	_ =	shalt  }
0x6a: {  	_ =	shalt  }
0x6b: {  	_ =	shalt  }
0x6c: {  	_ =	shalt  }
0x6d: {  	_ =	shalt  }
0x6e: {  	_ =	shalt  }
0x6f: {  	_ =	shalt  }
0x70: {  	_ =	shalt  }
0x71: {  	_ =	shalt  }
0x72: {  	_ =	shalt  }
0x73: {  	_ =	shalt  }
0x74: {  	_ =	shalt  }
0x75: {  	_ =	shalt  }
0x76: {  	_ =	shalt  }
0x77: {  	_ =	shalt  }
0x78: {  	_ =	shalt  }
0x79: {  	_ =	shalt  }
0x7a: {  	_ =	shalt  }
0x7b: {  	_ =	shalt  }
0x7c: {  	_ =	shalt  }
0x7d: {  	_ =	shalt  }
0x7e: {  	_ =	shalt  }
0x7f: {  	_ =	shalt  }
0x80: {  	_ =	shalt  }
0x81: {  	_ =	shalt  }
0x82: {  	_ =	shalt  }
0x83: {  	_ =	shalt  }
0x84: {  	_ =	shalt  }
0x85: {  	_ =	shalt  }
0x86: {  	_ =	shalt  }
0x87: {  	_ =	shalt  }
.Lfunc_end0:
.L_simem_size_0:
called_computation_lowered:
.L_overlay_start_0:
0x88: {  	s2 =	sld [smem:$0x3FD9]  }
0x89: {  	s3 =	sld [smem:$0x3FFE];
	_ =	sdelay $0x1  }
0x8a: {  	s1 =	srdreg.scid  }
0x8b: {  	s0 =	sand.u32 $0x1, s1  }
0x8c: {  	s17 =	sshll.u32 s0, $0xA;
	s2 =	sadd.s32 s3, s2  }
0x8d: {  	s2 =	sadd.s32 s2, s17  }
0x8e: {  	[smem:$0x3FC0] =	sst s2  }
0x8f: {  	_ = 	snop  }
0x90: {  	s2 =	sld [smem:$0x3FD0];
	(tm) =	ssettm $0x1  }
0x91: {  	s18 =	sld [smem:$0x3FFB];
	_ =	sdelay $0x3  }
0x92: {  	_ =	strace s18  }
0x93: {  	s3 =	sld [smem:$0x3FFC];
	_ =	sdelay $0x3  }
0x94: {  	_ =	strace s3  }
0x95: {  	s3 =	sld [smem:$0x3FFD];
	_ =	sdelay $0x3  }
0x96: {  	_ =	strace s3  }
0x97: {  	_ =	strace $0x8FFFFFFF  }
0x98: {  	s19 =	sld [smem:$0x3FDB];
	_ =	sdelay $0x1  }
0x99: {  	s4 =	simm.s32 $_scs_section_size  }
0x9a: {  	s5 =	simm.s32 $_size__tile_overlayer_lowered;
	s6 =	simm.s32 $_tile_overlayer_lowered  }
0x9b: {  	s22 =	simm.s32 $0x1BFF;
	s21 =	sshll.u32 s6, $0x1;
	s3 =	sadd.s32 s4, s19  }
0x9c: {  	s7 =	simm.s32 $0x0;
	s20 =	sshll.u32 s5, $0x1;
	s5 =	sadd.s32 s21, s3  }
0x9d: {  	[timem:s7], [sflag:s22] =	dma.local [hbm:s5], s20  }
0x9e: {  	_ =	swait.ge [sflag:s22], s20  }
0x9f: {  	s4 =	ssub.s32 $0x0, s20;
	[sflag:s22] =	ssyncset.done $0x0  }
0xa0: {  	[sflag:s22] =	ssyncadd.s32 s4;
	_ =	sdelay $0x1  }
0xa1: {  	s23 =	simm.s32 $0x1B8B  }
0xa2: {  	_ =	swait.ge [sflag:s23], $0x1  }
0xa3: {  	[sflag:s23] =	ssyncset.done $0x0  }
0xa4: {  	s25 =	simm.s32 $0x1B8E;
	s24 =	sld [smem:$0x3FFE];
	[sflag:s23] =	ssyncadd.s32 $0xFFFFFFFF  }
0xa5: {  	s26 =	simm.s32 $execute0_lowered;
	[smem:$0x3FD2] =	sst s25  }
0xa6: {  	s5 =	sshll.u32 s26, $0x1;
	_ =	strace $0x80000046;
	[dreg:$0x1] =	wrdreg $0xFFFFFFFF  }
0xa7: {  	s28 =	simm.s32 $_size_execute0_lowered;
	s3 =	sadd.s32 s3, s5;
	[dreg:$0x0] =	wrdreg $0x0  }
0xa8: {  	s5 =	sshll.u32 s28, $0x1;
	[dreg:$0x2] =	wrdreg s3  }
0xa9: {  	[dreg:$0x3] =	wrdreg s5  }
0xaa: {  	[dreg:$0x4] =	wrdreg $0xC0  }
0xab: {  	_ =	task [dreg:s7], $0x5FFFF  }
0xac: {  	[dreg:$0x1] =	wrdreg $0xFFFFFFFF  }
0xad: {  	[dreg:$0x0] =	wrdreg $0x60  }
0xae: {  	[dreg:$0x2] =	wrdreg s24  }
0xaf: {  	[dreg:$0x3] =	wrdreg s2  }
0xb0: {  	[dreg:$0x4] =	wrdreg $0x68000  }
0xb1: {  	[dreg:$0x5] =	wrdreg $0x9  }
0xb2: {  	_ =	task.clear_ibuf [dreg:s7], $0x6FFFF;
	_ =	strace $0x90000046  }
0xb3: {  	s29 =	simm.s32 $0x9;
	_ =	strace $0x80000048  }
0xb4: {  	_ =	swait.ge [sflag:s29], $0x1  }
0xb5: {  	[sflag:s29] =	ssyncadd.s32 $0xFFFFFFFF  }
0xb6: {  	_ =	strace $0x90000048  }
0xb7: {  	_ =	sfence  }
0xb8: {  	s30 =	sld [smem:$0x0];
	_ =	sdelay $0x2  }
0xb9: {  	s31 =	sshll.u32 s1, $0xD;
	s1 =	sshrl.u32 s1, $0x2  }
0xba: {  	s3 =	sand.u32 $0x4000, s31;
	s1 =	sadd.s32 s1, s30  }
0xbb: {  	s0 =	sor.u32 s3, s0;
	s1 =	sshll.u32 s1, $0x11  }
0xbc: {  	s0 =	sor.u32 s1, s0  }
0xbd: {  	s0 =	sadd.s32 $0x8F2B, s0  }
0xbe: {  	[sflag:s0] =	ssyncadd.remote.s32 $0x1  }
0xbf: {  	_ =	sfence.sel $0xFFFF  }
0xc0: {  	[dreg:$0x0] =	wrdreg $0xFFFFFFFF;
	(pc) =	sbr.abs _section_cstart, $3  }
0xc1: {  	[dreg:$0x1] =	wrdreg $0xFFFFFFFF  }
0xc2: {  	_ =	task.clear_ibuf [dreg:s7], $0x2FFFF;
	_ =	strace $0x9FFFFFFF  }
0xc3: {  	(tm) =	ssettm $0x7FFFFFFF  }
tec
execute0_lowered:
.L_overlay_start_1:
0x0: {  	(tag) =	ssettag $0x1  }
0x1: {  	s5 =	rddreg [dreg:$0x0]  }
0x2: {  	s11 =	rddreg [dreg:$0x1]  }
0x3: {  	s1 =	rddreg [dreg:$0x2]  }
0x4: {  	s0 =	rddreg [dreg:$0x3]  }
0x5: {  	s2 =	simm.s32 $0x0;
	s6 =	srdreg.scid;
	s3 =	stileid.u32  }
0x6: {  	s18 =	simm.s32 $0x1;
	s19 =	simm.s32 $0x2;
	s20 =	simm.s32 $0x0  }
0x7: {  	[smem:$0x7FF] =	sst s2;
	s4 =	sadd.s32 $0x4ED800, s5;
	s9 =	smul.u32 $0x500, s3  }
0x8: {  	s7 =	sadd.s32 $0x10800, s5;
	s6 =	sand.u32 $0x1, s6;
	s13 =	smul.u32 $0x2800, s3  }
0x9: {  	s10 =	sadd.s32 $0xB800, s5;
	s12 =	sadd.s32 $0x6800, s5;
	s29 =	smul.u32 $0x1F400, s3  }
0xa: {  	s17 =	smul.u32 $0x7D000, s3;
	p1 =	sgt.u32 s3, $0x9;
	_ =	strace $0x80000047  }
0xb: {  	s8 =	ssub.s32 $0x2, s6;
	p0 =	seq.s32 s6, $0x1;
	s15 =	smul.u32 $0x138800, s6  }
0xc: {  	s26 =	sshrl.u32 s8, $0x1;
	s5 =	sadd.s32 s7, s9;
	s28 =	sshrl.u32 s13, $0x3  }
0xd: {  	s6 =	sadd.s32 s12, s9;
	s9 =	sadd.s32 s10, s9;
	s31 =	sshrl.u32 s17, $0x2  }
.Ltmp0:
0xe: {  	s17 =	simm.s32 $0x7D;
	s14 =	ssub.s32 s8, s26;
	(pc) =	sbr.rel .LBB2_1-.Ltmp0, $4  }
0xf: {  	s16 =	sadd.s32 $0x280, s28;
	s30 =	sadd.s32 s29, s15;
	s15 =	simm.s32 $0x3  }
0x10: {  	s7 =	sadd.s32 s7, s16;
	s8 =	sadd.s32 s12, s16;
	s12 =	sshrl.u32 s30, $0x3  }
0x11: {  	s10 =	sadd.s32 s10, s16;
	s13 =	smax.u32 s14, $0x1;
	s14 =	simm.s32 $0x2800  }
0x12: {  	v0 =	vimm.f32 $0.0e+00;
	s16 =	simm.s32 $0x1400;
	s11 =	sadd.s32 s11, s12;
	s12 =	sadd.s32 s31, s1  }
.LBB2_12:
0x13: {  	s21 =	sshra.s32 s21, $0x2;
	[sflag:s19] =	ssyncadd.s32 $0xFFFFC180  }
0x14: {  	[tilespmem:s14], [sflag:$0x1] =	stream.indirect.gather [hbm4b:s4+s17], $0x80, s21, s17, $0xb8;
	[tilespmem:$0x1A080] =	vst v63  }
0x15: {  	_ =	swait.ge [sflag:s18], $0x3E80  }
0x16: {  	[sflag:s18] =	ssyncset.done $0x0  }
0x17: {  	s21 =	sadd.s32 $0x1400, s21;
	[sflag:s18] =	ssyncadd.s32 $0xFFFFC180  }
0x18: {  	[spmem:s1] =	stream.indirect.scatter.add.f32 [tilespmem:s14], [sflag:$0x2], $0x80, s21, s17, $0xb8;
	[tilespmem:$0x1A080] =	vst v63  }
0x19: {  	_ =	swait.ge [sflag:s19], $0x3E80  }
0x1a: {  	[sflag:s19] =	ssyncset.done $0x0  }
0x1b: {  	[sflag:s19] =	ssyncadd.s32 $0xFFFFC180  }
.LBB2_18:
0x1c: {  	s21 =	sshll.u32 @!p1 s3, $0x6;
	[bflag:$0x0] =	sbarrier.arrive $0xFFFF;
	s20 =	sadd.s32 $0x1, s20  }
0x1d: {  	s22 =	sshrl.u32 @!p1 s12, $0x3;
	s21 =	sor.u32 @!p1 $0x1C03, s21;
	p2 =	sne.s32 s20, s13  }
0x1e: {  	[hbm:s11], [sflag:s21] =	dma.local @!p1 [spmem:s22], $0x3E80  }
.Ltmp1:
0x1f: {  	_ = 	snop;
	(pc) =	sbr.rel @!p2 .LBB2_19-.Ltmp1, $4  }
0x20: {  	s21 =	simm.s32 @!p1 $0x3  }
0x21: {  	_ =	swait.ge @!p1 [sflag:s21], $0x3E80  }
0x22: {  	[sflag:s21] =	ssyncset.done @!p1 $0x0  }
0x23: {  	[sflag:s21] =	ssyncadd.s32 @!p1 $0xFFFFC180  }
.LBB2_1:
0x24: {  	s21 =	sand.u32 $0xFE00, s2  }
0x25: {  	s22 =	sand.u32 $0x70, s2;
	s23 =	sshrl.u32 s21, $0x2  }
0x26: {  	s21 =	simm.s32 $0x40;
	s23 =	sor.u32 s22, s23;
	s22 =	simm.s32 $0x0  }
.LBB2_2:
0x27: {  	p2 =	sne.s32 s21, $0xF9C0  }
0x28: {  	[tilespmem:s23+$0x2800] =	vst v0;
	s22 =	sadd.s32 $0x10, s22;
	s23 =	smov.u32 s21;
	s21 =	sadd.s32 $0x40, s21  }
.Ltmp2:
0x29: {  	(pc) =	sbr.rel @p2 .LBB2_2-.Ltmp2, $4  }
0x2a: {  	_ = 	snop  }
0x2b: {  	s23 =	sand.u32 $0xFE00, s23  }
0x2c: {  	s24 =	sand.u32 $0x70, s22;
	s23 =	sshrl.u32 s23, $0x2  }
0x2d: {  	s23 =	sor.u32 s24, s23  }
.Ltmp3:
0x2e: {  	(pc) =	sbr.rel @p1 .LBB2_7-.Ltmp3, $2  }
0x2f: {  	_ =	sdelay $0x2  }
0x30: {  	[tilespmem:s23+$0x2800] =	vst v0  }
0x31: {  	s21 =	sadd.s32 $0x0, s12  }
0x32: {  	[spmem:s21] =	stream.linear.scatter [tilespmem:s14], [sflag:$0x3], $0x1400, $0x38;
	[tilespmem:$0x1A080] =	vst v63  }
0x33: {  	s21 =	simm.s32 $0x5000;
	_ =	swait.ge [sflag:s15], $0x1400  }
.LBB2_5:
0x34: {  	s22 =	sshra.s32 s21, $0x2;
	[sflag:s15] =	ssyncset.done $0x0;
	p2 =	sne.s32 s21, $0x78000  }
.Ltmp4:
0x35: {  	s22 =	sadd.s32 s22, s12;
	[sflag:s15] =	ssyncadd.s32 $0xFFFFEC00;
	(pc) =	sbr.rel @p2 .LBB2_5-.Ltmp4, $3  }
0x36: {  	[spmem:s22] =	stream.linear.scatter [tilespmem:s14], [sflag:$0x3], $0x1400, $0x38;
	[tilespmem:$0x1A080] =	vst v63  }
0x37: {  	s21 =	sadd.s32 $0x5000, s21;
	_ =	sdelay $0x1  }
0x38: {  	_ =	swait.ge [sflag:s15], $0x1400  }
0x39: {  	[sflag:s15] =	ssyncset.done $0x0  }
0x3a: {  	[sflag:s15] =	ssyncadd.s32 $0xFFFFEC00  }
.LBB2_7:
.Ltmp5:
0x3b: {  	(pc) =	sbr.rel @!p0 .LBB2_8-.Ltmp5, $3  }
0x3c: {  	_ =	sdelay $0x1  }
0x3d: {  	[bflag:$0x0] =	sbarrier.arrive $0xFFFF  }
0x3e: {  	s21 =	simm.s32 $0x0  }
0x3f: {  	[tilespmem:s21], [sflag:$0x3] =	stream.linear.gather [hbm4b:s9+s21], $0x1400, $0x38;
	[tilespmem:$0x1A080] =	vst v63  }
0x40: {  	_ =	swait.ge [sflag:s15], $0x1400  }
0x41: {  	[sflag:s15] =	ssyncset.done $0x0  }
0x42: {  	[sflag:s15] =	ssyncadd.s32 $0xFFFFEC00  }
0x43: {  	[tilespmem:s16], [sflag:$0x3] =	stream.linear.gather [hbm4b:s6+s21], $0x1400, $0x38;
	[tilespmem:$0x1A080] =	vst v63  }
0x44: {  	_ =	swait.ge [sflag:s15], $0x1400  }
0x45: {  	[sflag:s15] =	ssyncset.done $0x0  }
0x46: {  	s30 =	simm.s32 $0x0;
	[sflag:s15] =	ssyncadd.s32 $0xFFFFEC00  }
0x47: {  	[tilespmem:s14], [sflag:$0x1] =	stream.indirect.gather [hbm4b:s4+s17], $0x80, s30, s17, $0xb8;
	[tilespmem:$0x1A080] =	vst v63  }
0x48: {  	_ =	swait.ge [sflag:s18], $0x3E80  }
0x49: {  	[sflag:s18] =	ssyncset.done $0x0  }
0x4a: {  	s31 =	simm.s32 $0x1400;
	[sflag:s18] =	ssyncadd.s32 $0xFFFFC180  }
0x4b: {  	[spmem:s1] =	stream.indirect.scatter.add.f32 [tilespmem:s14], [sflag:$0x2], $0x80, s31, s17, $0xb8;
	[tilespmem:$0x1A080] =	vst v63  }
0x4c: {  	_ =	swait.ge [sflag:s19], $0x3E80  }
0x4d: {  	s22 =	simm.s32 $0x400;
	s21 =	simm.s32 $0x200;
	[sflag:s19] =	ssyncset.done $0x0  }
.LBB2_14:
0x4e: {  	s23 =	sshra.s32 s21, $0x2  }
0x4f: {  	[sflag:s19] =	ssyncadd.s32 $0xFFFFC180;
	s21 =	smov.u32 s22;
	s24 =	sadd.s32 $0x200, s22  }
0x50: {  	[tilespmem:s14], [sflag:$0x1] =	stream.indirect.gather [hbm4b:s4+s17], $0x80, s23, s17, $0xb8;
	[tilespmem:$0x1A080] =	vst v63  }
0x51: {  	p2 =	sne.s32 s22, $0x4E00;
	_ =	swait.ge [sflag:s18], $0x3E80  }
.Ltmp6:
0x52: {  	[sflag:s18] =	ssyncset.done $0x0;
	(pc) =	sbr.rel @p2 .LBB2_14-.Ltmp6, $4  }
0x53: {  	s22 =	sadd.s32 $0x1400, s23;
	[sflag:s18] =	ssyncadd.s32 $0xFFFFC180  }
0x54: {  	[spmem:s1] =	stream.indirect.scatter.add.f32 [tilespmem:s14], [sflag:$0x2], $0x80, s22, s17, $0xb8;
	[tilespmem:$0x1A080] =	vst v63  }
0x55: {  	_ =	swait.ge [sflag:s19], $0x3E80  }
0x56: {  	s22 =	smov.u32 s24;
	[sflag:s19] =	ssyncset.done $0x0  }
0x57: {  	s21 =	sshra.s32 s21, $0x2;
	[sflag:s19] =	ssyncadd.s32 $0xFFFFC180  }
0x58: {  	[tilespmem:s14], [sflag:$0x1] =	stream.indirect.gather [hbm4b:s4+s17], $0x80, s21, s17, $0xb8;
	[tilespmem:$0x1A080] =	vst v63  }
0x59: {  	_ =	swait.ge [sflag:s18], $0x3E80  }
0x5a: {  	[sflag:s18] =	ssyncset.done $0x0  }
0x5b: {  	s21 =	sadd.s32 $0x1400, s21;
	[sflag:s18] =	ssyncadd.s32 $0xFFFFC180  }
0x5c: {  	[spmem:s1] =	stream.indirect.scatter.add.f32 [tilespmem:s14], [sflag:$0x2], $0x80, s21, s17, $0xb8;
	[tilespmem:$0x1A080] =	vst v63  }
0x5d: {  	_ =	swait.ge [sflag:s19], $0x3E80  }
0x5e: {  	[sflag:s19] =	ssyncset.done $0x0  }
0x5f: {  	s29 =	simm.s32 $0x0;
	[sflag:s19] =	ssyncadd.s32 $0xFFFFC180  }
0x60: {  	[tilespmem:s29], [sflag:$0x3] =	stream.linear.gather [hbm4b:s10+s29], $0x1400, $0x38;
	[tilespmem:$0x1A080] =	vst v63  }
0x61: {  	_ =	swait.ge [sflag:s15], $0x1400  }
0x62: {  	[sflag:s15] =	ssyncset.done $0x0  }
0x63: {  	[sflag:s15] =	ssyncadd.s32 $0xFFFFEC00  }
0x64: {  	[tilespmem:s16], [sflag:$0x3] =	stream.linear.gather [hbm4b:s8+s29], $0x1400, $0x38;
	[tilespmem:$0x1A080] =	vst v63  }
0x65: {  	_ =	swait.ge [sflag:s15], $0x1400  }
0x66: {  	[sflag:s15] =	ssyncset.done $0x0  }
0x67: {  	s30 =	simm.s32 $0x0;
	[sflag:s15] =	ssyncadd.s32 $0xFFFFEC00  }
0x68: {  	[tilespmem:s14], [sflag:$0x1] =	stream.indirect.gather [hbm4b:s4+s17], $0x80, s30, s17, $0xb8;
	[tilespmem:$0x1A080] =	vst v63  }
0x69: {  	_ =	swait.ge [sflag:s18], $0x3E80  }
0x6a: {  	[sflag:s18] =	ssyncset.done $0x0  }
0x6b: {  	s31 =	simm.s32 $0x1400;
	[sflag:s18] =	ssyncadd.s32 $0xFFFFC180  }
0x6c: {  	[spmem:s1] =	stream.indirect.scatter.add.f32 [tilespmem:s14], [sflag:$0x2], $0x80, s31, s17, $0xb8;
	[tilespmem:$0x1A080] =	vst v63  }
0x6d: {  	_ =	swait.ge [sflag:s19], $0x3E80  }
0x6e: {  	s22 =	simm.s32 $0x400;
	s21 =	simm.s32 $0x200;
	[sflag:s19] =	ssyncset.done $0x0  }
.LBB2_16:
0x6f: {  	s23 =	sshra.s32 s21, $0x2  }
0x70: {  	[sflag:s19] =	ssyncadd.s32 $0xFFFFC180;
	s21 =	smov.u32 s22;
	s24 =	sadd.s32 $0x200, s22  }
0x71: {  	[tilespmem:s14], [sflag:$0x1] =	stream.indirect.gather [hbm4b:s4+s17], $0x80, s23, s17, $0xb8;
	[tilespmem:$0x1A080] =	vst v63  }
0x72: {  	p2 =	sne.s32 s22, $0x4E00;
	_ =	swait.ge [sflag:s18], $0x3E80  }
.Ltmp7:
0x73: {  	[sflag:s18] =	ssyncset.done $0x0;
	(pc) =	sbr.rel @p2 .LBB2_16-.Ltmp7, $4  }
0x74: {  	s22 =	sadd.s32 $0x1400, s23;
	[sflag:s18] =	ssyncadd.s32 $0xFFFFC180  }
0x75: {  	[spmem:s1] =	stream.indirect.scatter.add.f32 [tilespmem:s14], [sflag:$0x2], $0x80, s22, s17, $0xb8;
	[tilespmem:$0x1A080] =	vst v63  }
0x76: {  	_ =	swait.ge [sflag:s19], $0x3E80  }
0x77: {  	s22 =	smov.u32 s24;
	[sflag:s19] =	ssyncset.done $0x0  }
0x78: {  	s21 =	sshra.s32 s21, $0x2;
	[sflag:s19] =	ssyncadd.s32 $0xFFFFC180  }
0x79: {  	[tilespmem:s14], [sflag:$0x1] =	stream.indirect.gather [hbm4b:s4+s17], $0x80, s21, s17, $0xb8;
	[tilespmem:$0x1A080] =	vst v63  }
0x7a: {  	_ =	swait.ge [sflag:s18], $0x3E80  }
0x7b: {  	[sflag:s18] =	ssyncset.done $0x0  }
.Ltmp8:
0x7c: {  	s21 =	sadd.s32 $0x1400, s21;
	[sflag:s18] =	ssyncadd.s32 $0xFFFFC180;
	(pc) =	sbr.rel .LBB2_18-.Ltmp8, $4  }
0x7d: {  	[spmem:s1] =	stream.indirect.scatter.add.f32 [tilespmem:s14], [sflag:$0x2], $0x80, s21, s17, $0xb8;
	[tilespmem:$0x1A080] =	vst v63  }
0x7e: {  	_ =	swait.ge [sflag:s19], $0x3E80  }
0x7f: {  	[sflag:s19] =	ssyncset.done $0x0  }
0x80: {  	[sflag:s19] =	ssyncadd.s32 $0xFFFFC180  }
.LBB2_8:
0x81: {  	[tilespmem:s21], [sflag:$0x3] =	stream.linear.gather [hbm4b:s5+s21], $0x1400, $0x38;
	[tilespmem:$0x1A080] =	vst v63  }
0x82: {  	_ =	swait.ge [sflag:s15], $0x1400  }
0x83: {  	[sflag:s15] =	ssyncset.done $0x0  }
0x84: {  	[sflag:s15] =	ssyncadd.s32 $0xFFFFEC00  }
0x85: {  	[tilespmem:s16], [sflag:$0x3] =	stream.linear.gather [hbm4b:s6+s21], $0x1400, $0x38;
	[tilespmem:$0x1A080] =	vst v63  }
0x86: {  	_ =	swait.ge [sflag:s15], $0x1400  }
0x87: {  	[sflag:s15] =	ssyncset.done $0x0  }
0x88: {  	s30 =	simm.s32 $0x0;
	[sflag:s15] =	ssyncadd.s32 $0xFFFFEC00  }
0x89: {  	[tilespmem:s14], [sflag:$0x1] =	stream.indirect.gather [hbm4b:s4+s17], $0x80, s30, s17, $0xb8;
	[tilespmem:$0x1A080] =	vst v63  }
0x8a: {  	_ =	swait.ge [sflag:s18], $0x3E80  }
0x8b: {  	[sflag:s18] =	ssyncset.done $0x0  }
0x8c: {  	s31 =	simm.s32 $0x1400;
	[sflag:s18] =	ssyncadd.s32 $0xFFFFC180  }
0x8d: {  	[spmem:s1] =	stream.indirect.scatter.add.f32 [tilespmem:s14], [sflag:$0x2], $0x80, s31, s17, $0xb8;
	[tilespmem:$0x1A080] =	vst v63  }
0x8e: {  	_ =	swait.ge [sflag:s19], $0x3E80  }
0x8f: {  	s22 =	simm.s32 $0x400;
	s21 =	simm.s32 $0x200;
	[sflag:s19] =	ssyncset.done $0x0  }
.LBB2_9:
0x90: {  	s23 =	sshra.s32 s21, $0x2  }
0x91: {  	[sflag:s19] =	ssyncadd.s32 $0xFFFFC180;
	s21 =	smov.u32 s22;
	s24 =	sadd.s32 $0x200, s22  }
0x92: {  	[tilespmem:s14], [sflag:$0x1] =	stream.indirect.gather [hbm4b:s4+s17], $0x80, s23, s17, $0xb8;
	[tilespmem:$0x1A080] =	vst v63  }
0x93: {  	p2 =	sne.s32 s22, $0x4E00;
	_ =	swait.ge [sflag:s18], $0x3E80  }
.Ltmp9:
0x94: {  	[sflag:s18] =	ssyncset.done $0x0;
	(pc) =	sbr.rel @p2 .LBB2_9-.Ltmp9, $4  }
0x95: {  	s22 =	sadd.s32 $0x1400, s23;
	[sflag:s18] =	ssyncadd.s32 $0xFFFFC180  }
0x96: {  	[spmem:s1] =	stream.indirect.scatter.add.f32 [tilespmem:s14], [sflag:$0x2], $0x80, s22, s17, $0xb8;
	[tilespmem:$0x1A080] =	vst v63  }
0x97: {  	_ =	swait.ge [sflag:s19], $0x3E80  }
0x98: {  	s22 =	smov.u32 s24;
	[sflag:s19] =	ssyncset.done $0x0  }
0x99: {  	s21 =	sshra.s32 s21, $0x2;
	[sflag:s19] =	ssyncadd.s32 $0xFFFFC180  }
0x9a: {  	[tilespmem:s14], [sflag:$0x1] =	stream.indirect.gather [hbm4b:s4+s17], $0x80, s21, s17, $0xb8;
	[tilespmem:$0x1A080] =	vst v63  }
0x9b: {  	_ =	swait.ge [sflag:s18], $0x3E80  }
0x9c: {  	[sflag:s18] =	ssyncset.done $0x0  }
0x9d: {  	s21 =	sadd.s32 $0x1400, s21;
	[sflag:s18] =	ssyncadd.s32 $0xFFFFC180  }
0x9e: {  	[spmem:s1] =	stream.indirect.scatter.add.f32 [tilespmem:s14], [sflag:$0x2], $0x80, s21, s17, $0xb8;
	[tilespmem:$0x1A080] =	vst v63  }
0x9f: {  	_ =	swait.ge [sflag:s19], $0x3E80  }
0xa0: {  	[sflag:s19] =	ssyncset.done $0x0  }
0xa1: {  	s29 =	simm.s32 $0x0;
	[sflag:s19] =	ssyncadd.s32 $0xFFFFC180  }
0xa2: {  	[tilespmem:s29], [sflag:$0x3] =	stream.linear.gather [hbm4b:s7+s29], $0x1400, $0x38;
	[tilespmem:$0x1A080] =	vst v63  }
0xa3: {  	_ =	swait.ge [sflag:s15], $0x1400  }
0xa4: {  	[sflag:s15] =	ssyncset.done $0x0  }
0xa5: {  	[sflag:s15] =	ssyncadd.s32 $0xFFFFEC00  }
0xa6: {  	[tilespmem:s16], [sflag:$0x3] =	stream.linear.gather [hbm4b:s8+s29], $0x1400, $0x38;
	[tilespmem:$0x1A080] =	vst v63  }
0xa7: {  	_ =	swait.ge [sflag:s15], $0x1400  }
0xa8: {  	[sflag:s15] =	ssyncset.done $0x0  }
0xa9: {  	s30 =	simm.s32 $0x0;
	[sflag:s15] =	ssyncadd.s32 $0xFFFFEC00  }
0xaa: {  	[tilespmem:s14], [sflag:$0x1] =	stream.indirect.gather [hbm4b:s4+s17], $0x80, s30, s17, $0xb8;
	[tilespmem:$0x1A080] =	vst v63  }
0xab: {  	_ =	swait.ge [sflag:s18], $0x3E80  }
0xac: {  	[sflag:s18] =	ssyncset.done $0x0  }
0xad: {  	s31 =	simm.s32 $0x1400;
	[sflag:s18] =	ssyncadd.s32 $0xFFFFC180  }
0xae: {  	[spmem:s1] =	stream.indirect.scatter.add.f32 [tilespmem:s14], [sflag:$0x2], $0x80, s31, s17, $0xb8;
	[tilespmem:$0x1A080] =	vst v63  }
0xaf: {  	_ =	swait.ge [sflag:s19], $0x3E80  }
0xb0: {  	s22 =	simm.s32 $0x400;
	s21 =	simm.s32 $0x200;
	[sflag:s19] =	ssyncset.done $0x0  }
.LBB2_11:
0xb1: {  	s23 =	sshra.s32 s21, $0x2  }
0xb2: {  	[sflag:s19] =	ssyncadd.s32 $0xFFFFC180;
	s21 =	smov.u32 s22;
	s24 =	sadd.s32 $0x200, s22  }
0xb3: {  	[tilespmem:s14], [sflag:$0x1] =	stream.indirect.gather [hbm4b:s4+s17], $0x80, s23, s17, $0xb8;
	[tilespmem:$0x1A080] =	vst v63  }
0xb4: {  	p2 =	seq.s32 s22, $0x4E00;
	_ =	swait.ge [sflag:s18], $0x3E80  }
.Ltmp10:
0xb5: {  	[sflag:s18] =	ssyncset.done $0x0;
	(pc) =	sbr.rel @!p2 .LBB2_11-.Ltmp10, $4  }
0xb6: {  	s22 =	sadd.s32 $0x1400, s23;
	[sflag:s18] =	ssyncadd.s32 $0xFFFFC180  }
0xb7: {  	[spmem:s1] =	stream.indirect.scatter.add.f32 [tilespmem:s14], [sflag:$0x2], $0x80, s22, s17, $0xb8;
	[tilespmem:$0x1A080] =	vst v63  }
0xb8: {  	_ =	swait.ge [sflag:s19], $0x3E80  }
0xb9: {  	s22 =	smov.u32 s24;
	[sflag:s19] =	ssyncset.done $0x0  }
.Ltmp11:
0xba: {  	_ = 	snop;
	(pc) =	sbr.rel .LBB2_12-.Ltmp11, $1  }
0xbb: {  	_ =	sdelay $0x3  }
.LBB2_19:
0xbc: {  	_ =	sfence.sel $0x180000  }
0xbd: {  	[bflag:$0x0] =	sbarrier.arrive $0xFFFF  }
0xbe: {  	p0 =	sne.s32 s3, $0x0;
	_ =	strace $0x90000047  }
0xbf: {  	s0 =	sadd.s32 @!p0 $0x100000, s0;
	[bflag:$0x2] =	sbarrier.arrive $0xFFFF  }
0xc0: {  	[sflag:s0] =	ssyncadd.tile.s32 @!p0 $0x1;
	_ =	shalt  }
.Lfunc_end2:
_tile_overlayer_lowered:
.L_overlay_start_2:
0xc1: {  	(tag) =	ssettag $0x2  }
0xc2: {  	s0 =	rddreg [dreg:$0x0];
	s2 =	stileid.u32  }
0xc3: {  	s1 =	rddreg [dreg:$0x1];
	p0 =	sne.s32 s2, $0x0  }
0xc4: {  	s3 =	rddreg [dreg:$0x2];
	[bflag:$0x3] =	sbarrier.arrive $0xFFFF;
	s2 =	simm.s32 @!p0 $0x1C03  }
0xc5: {  	[timem:s3], [sflag:s2] =	dma.local @!p0 [hbm:s0], s1  }
0xc6: {  	s0 =	simm.s32 @!p0 $0x3  }
0xc7: {  	_ =	swait.ge @!p0 [sflag:s0], s1  }
0xc8: {  	s1 =	ssub.s32 @!p0 $0x0, s1;
	[sflag:s0] =	ssyncset.done @!p0 $0x0  }
0xc9: {  	[sflag:s0] =	ssyncadd.s32 @!p0 s1  }
0xca: {  	[bflag:$0x3] =	sbarrier.arrive $0xFFFF  }
0xcb: {  	_ =	shalt  }

</sc_bundles>
